<compile_context>
chip_gen: v7x
topology: tpu7x:2x2x1
jax: 0.10.2.dev20260603
libtpu: 0.0.44.dev20260713+nightly
codegen_flags: <defaults>
</compile_context>

<pallas_src>
import functools

import jax
import jax.numpy as jnp
from jax import lax
from jax.experimental import pallas as pl
from jax.experimental.pallas import tpu as pltpu
from jax.experimental.pallas import tpu_sc as plsc

NUM_MONTHS = 12
EMBED = 128
BATCH = 16384

_NC = 1
_NS = 16
_NW = _NC * _NS
_BPW = BATCH // _NW
_ROWS_PER_STEP = 16


def _make_kernel():
  mesh = plsc.VectorSubcoreMesh(core_axis_name="c", subcore_axis_name="s", num_cores=1)

  @functools.partial(
      pl.kernel,
      mesh=mesh,
      out_type=jax.ShapeDtypeStruct((BATCH * EMBED,), jnp.float32),
      scratch_types=[
          pltpu.VMEM((NUM_MONTHS * EMBED,), jnp.float32),
          pltpu.VMEM((_BPW * 2,), jnp.int32),
          pltpu.VMEM((_BPW * EMBED // 2,), jnp.float32),
          pltpu.SemaphoreType.DMA,
          pltpu.SemaphoreType.DMA,
      ],
  )
  def k(ti_hbm, table_hbm, out_hbm, table_v, ti_v, drain_v, in_sem, out_sem):
    wid = lax.axis_index("s") * _NC + lax.axis_index("c")
    base = wid * _BPW

    load_table = pltpu.async_copy(table_hbm, table_v, in_sem)
    load_ti = pltpu.async_copy(
        ti_hbm.at[pl.ds(base * 2, _BPW * 2)], ti_v, in_sem
    )
    load_table.wait()
    load_ti.wait()

    def body(step, carry):
      r0 = step * _ROWS_PER_STEP
      pairs_a = ti_v[pl.ds(r0 * 2, 16)]
      pairs_b = ti_v[pl.ds(r0 * 2 + 16, 16)]
      for r in range(_ROWS_PER_STEP):
        pairs = pairs_a if r < 8 else pairs_b
        off = pairs[(2 * r) % 16] * EMBED
        dst = (base + r0 + r) * EMBED
        pltpu.async_copy(
            table_v.at[pl.ds(off, EMBED)],
            out_hbm.at[pl.ds(dst, EMBED)],
            out_sem,
        )
      return carry

    lax.fori_loop(0, _BPW // _ROWS_PER_STEP, body, 0, unroll=2)

    for _h in range(2):
      pltpu.make_async_copy(
          out_hbm.at[pl.ds(base * EMBED, _BPW * EMBED // 2)], drain_v, out_sem
      ).wait()

  return k


_sc_lookup = jax.jit(_make_kernel())


def kernel(time_input, month_table):
  out = _sc_lookup(
      time_input.astype(jnp.int32).reshape(-1), month_table.reshape(-1)
  )
  return out.reshape(BATCH, EMBED)

# --- scband reference (transcript-rebuilt; emitter-appended) ---
"""Pipeline reference for scband-time-embedding-40690520162681 (READ-ONLY COPY).

The authoritative reference and input builder live on the scoring server;
editing this copy changes nothing except your own understanding.
"""

import jax, jax.numpy as jnp
import numpy as np

NUM_MONTHS = 12
EMBED = 128
BATCH = 16384

def setup_inputs(seed: int = 0) -> dict:
    key = jax.random.key(seed)
    k1, k2 = jax.random.split(key)
    time_input = jax.random.randint(k1, (BATCH, 2), 0, NUM_MONTHS, dtype=jnp.int64) if jax.config.jax_enable_x64 else jax.random.randint(k1, (BATCH, 2), 0, NUM_MONTHS, dtype=jnp.int32)
    month_table = jax.random.normal(k2, (NUM_MONTHS, EMBED), dtype=jnp.float32)
    return {"time_input": time_input, "month_table": month_table}

def reference(time_input, month_table):
    # torch.split(time_input, 1, dim=1) -> month is [B, 1]
    month = time_input[:, 0:1]
    # nn.Embedding lookup -> [B, 1, E]
    month_embed = jnp.take(month_table, month, axis=0)
    # squeeze(1) -> [B, E]
    return jnp.squeeze(month_embed, axis=1)

if __name__ == "__main__":
    import jax
    _d = setup_inputs()
    print(jax.jit(kernel)(*tuple(_d.values())))

</pallas_src>

<mosaic_0001>
#map = affine_map<(d0, d1) -> (0)>
module attributes {stable_mosaic.version = 14 : i64} {
  func.func @k(%arg0: i32, %arg1: i32, %arg2: memref<32768xi32, #tpu.memory_space<hbm>>, %arg3: memref<1536xf32, #tpu.memory_space<hbm>>, %arg4: memref<2097152xf32, #tpu.memory_space<hbm>>, %arg5: memref<1536xf32, #tpu.memory_space<vmem>>, %arg6: memref<2048xi32, #tpu.memory_space<vmem>>, %arg7: memref<65536xf32, #tpu.memory_space<vmem>>, %arg8: memref<!tpu.dma_semaphore, #tpu.memory_space<semaphore_mem>>, %arg9: memref<!tpu.dma_semaphore, #tpu.memory_space<semaphore_mem>>) attributes {dimension_semantics = [#tpu.dimension_semantics<core_parallel>, #tpu.dimension_semantics<subcore_parallel>], iteration_bounds = array<i64: 1, 16>, scalar_prefetch = 0 : i64, scratch_operands = 5 : i64, tpu.core_type = #tpu.core_type<sc_vector_subcore>, window_params = [{transform_indices = #map}, {transform_indices = #map}, {transform_indices = #map}]} {
    %mul3A = arith.constant 1 : i32
    %mul3A_0 = arith.muli %arg1, %mul3A : i32
    %add3A = arith.addi %mul3A_0, %arg0 : i32
    %mul3A_1 = arith.constant 1024 : i32
    %mul3A_2 = arith.muli %add3A, %mul3A_1 : i32
    tpu.enqueue_dma source(%arg3 : memref<1536xf32, #tpu.memory_space<hbm>>) target(%arg5 : memref<1536xf32, #tpu.memory_space<vmem>>) target_semaphore(%arg8 : memref<!tpu.dma_semaphore, #tpu.memory_space<semaphore_mem>>)
    %mul3A_3 = arith.constant 2 : i32
    %mul3A_4 = arith.muli %mul3A_2, %mul3A_3 : i32
    %dma_start3A = tpu.memref_slice %arg2[%mul3A_4] : memref<32768xi32, #tpu.memory_space<hbm>> -> memref<2048xi32, #tpu.memory_space<hbm>>
    %dma_start3A_5 = tpu.memref_slice %arg2[%mul3A_4] : memref<32768xi32, #tpu.memory_space<hbm>> -> memref<2048xi32, #tpu.memory_space<hbm>>
    tpu.enqueue_dma source(%dma_start3A_5 : memref<2048xi32, #tpu.memory_space<hbm>>) target(%arg6 : memref<2048xi32, #tpu.memory_space<vmem>>) target_semaphore(%arg8 : memref<!tpu.dma_semaphore, #tpu.memory_space<semaphore_mem>>)
    tpu.wait_dma2 semaphore(%arg8 : memref<!tpu.dma_semaphore, #tpu.memory_space<semaphore_mem>>) src(%arg3 : memref<1536xf32, #tpu.memory_space<hbm>>) dst(%arg5 : memref<1536xf32, #tpu.memory_space<vmem>>)
    %dma_wait3A = tpu.memref_slice %arg2[%mul3A_4] : memref<32768xi32, #tpu.memory_space<hbm>> -> memref<2048xi32, #tpu.memory_space<hbm>>
    %dma_wait3A_6 = tpu.memref_slice %arg2[%mul3A_4] : memref<32768xi32, #tpu.memory_space<hbm>> -> memref<2048xi32, #tpu.memory_space<hbm>>
    tpu.wait_dma2 semaphore(%arg8 : memref<!tpu.dma_semaphore, #tpu.memory_space<semaphore_mem>>) src(%dma_wait3A_6 : memref<2048xi32, #tpu.memory_space<hbm>>) dst(%arg6 : memref<2048xi32, #tpu.memory_space<vmem>>)
    %scan3A = arith.constant 0 : i32
    %scan3A_7 = arith.constant 0 : i32
    %scan3A_8 = arith.constant 64 : i32
    %scan3A_9 = arith.addi %scan3A_7, %scan3A_8 : i32
    %scan3A_10 = arith.constant 2 : i32
    scf.for %scan3A_20 = %scan3A_7 to %scan3A_9 step %scan3A_10  : i32 {
      %mul3A_21 = arith.constant 16 : i32
      %mul3A_22 = arith.muli %scan3A_20, %mul3A_21 : i32
      %mul3A_23 = arith.constant 2 : i32
      %mul3A_24 = arith.muli %mul3A_22, %mul3A_23 : i32
      %get3A = arith.index_cast %mul3A_24 : i32 to index
      %get3A_25 = tpu.vector_load %arg6[%get3A] {strides = array<i32>} : memref<2048xi32, #tpu.memory_space<vmem>>, vector<16xi32>,
      %get3A_26 = vector.shape_cast %get3A_25 : vector<16xi32> to vector<16xi32>
      %mul3A_27 = arith.constant 2 : i32
      %mul3A_28 = arith.muli %mul3A_22, %mul3A_27 : i32
      %add3A_29 = arith.constant 16 : i32
      %add3A_30 = arith.addi %mul3A_28, %add3A_29 : i32
      %get3A_31 = arith.index_cast %add3A_30 : i32 to index
      %get3A_32 = tpu.vector_load %arg6[%get3A_31] {strides = array<i32>} : memref<2048xi32, #tpu.memory_space<vmem>>, vector<16xi32>,
      %get3A_33 = vector.shape_cast %get3A_32 : vector<16xi32> to vector<16xi32>
      %slice3A = vector.extract_strided_slice %get3A_26 {offsets = [0], sizes = [1], strides = [1]} : vector<16xi32> to vector<1xi32>
      %squeeze3A = vector.extract %slice3A[0] : i32 from vector<1xi32>
      %mul3A_34 = arith.constant 128 : i32
      %mul3A_35 = arith.muli %squeeze3A, %mul3A_34 : i32
      %add3A_36 = arith.addi %mul3A_2, %mul3A_22 : i32
      %add3A_37 = arith.constant 0 : i32
      %add3A_38 = arith.addi %add3A_36, %add3A_37 : i32
      %mul3A_39 = arith.constant 128 : i32
      %mul3A_40 = arith.muli %add3A_38, %mul3A_39 : i32
      %dma_start3A_41 = tpu.memref_slice %arg5[%mul3A_35] : memref<1536xf32, #tpu.memory_space<vmem>> -> memref<128xf32, #tpu.memory_space<vmem>>
      %dma_start3A_42 = tpu.memref_slice %arg4[%mul3A_40] : memref<2097152xf32, #tpu.memory_space<hbm>> -> memref<128xf32, #tpu.memory_space<hbm>>
      %dma_start3A_43 = tpu.memref_slice %arg4[%mul3A_40] : memref<2097152xf32, #tpu.memory_space<hbm>> -> memref<128xf32, #tpu.memory_space<hbm>>
      %dma_start3A_44 = tpu.memref_slice %arg5[%mul3A_35] : memref<1536xf32, #tpu.memory_space<vmem>> -> memref<128xf32, #tpu.memory_space<vmem>>
      tpu.enqueue_dma source(%dma_start3A_44 : memref<128xf32, #tpu.memory_space<vmem>>) target(%dma_start3A_43 : memref<128xf32, #tpu.memory_space<hbm>>) target_semaphore(%arg9 : memref<!tpu.dma_semaphore, #tpu.memory_space<semaphore_mem>>)
      %slice3A_45 = vector.extract_strided_slice %get3A_26 {offsets = [2], sizes = [1], strides = [1]} : vector<16xi32> to vector<1xi32>
      %squeeze3A_46 = vector.extract %slice3A_45[0] : i32 from vector<1xi32>
      %mul3A_47 = arith.constant 128 : i32
      %mul3A_48 = arith.muli %squeeze3A_46, %mul3A_47 : i32
      %add3A_49 = arith.addi %mul3A_2, %mul3A_22 : i32
      %add3A_50 = arith.constant 1 : i32
      %add3A_51 = arith.addi %add3A_49, %add3A_50 : i32
      %mul3A_52 = arith.constant 128 : i32
      %mul3A_53 = arith.muli %add3A_51, %mul3A_52 : i32
      %dma_start3A_54 = tpu.memref_slice %arg5[%mul3A_48] : memref<1536xf32, #tpu.memory_space<vmem>> -> memref<128xf32, #tpu.memory_space<vmem>>
      %dma_start3A_55 = tpu.memref_slice %arg4[%mul3A_53] : memref<2097152xf32, #tpu.memory_space<hbm>> -> memref<128xf32, #tpu.memory_space<hbm>>
      %dma_start3A_56 = tpu.memref_slice %arg4[%mul3A_53] : memref<2097152xf32, #tpu.memory_space<hbm>> -> memref<128xf32, #tpu.memory_space<hbm>>
      %dma_start3A_57 = tpu.memref_slice %arg5[%mul3A_48] : memref<1536xf32, #tpu.memory_space<vmem>> -> memref<128xf32, #tpu.memory_space<vmem>>
      tpu.enqueue_dma source(%dma_start3A_57 : memref<128xf32, #tpu.memory_space<vmem>>) target(%dma_start3A_56 : memref<128xf32, #tpu.memory_space<hbm>>) target_semaphore(%arg9 : memref<!tpu.dma_semaphore, #tpu.memory_space<semaphore_mem>>)
      %slice3A_58 = vector.extract_strided_slice %get3A_26 {offsets = [4], sizes = [1], strides = [1]} : vector<16xi32> to vector<1xi32>
      %squeeze3A_59 = vector.extract %slice3A_58[0] : i32 from vector<1xi32>
      %mul3A_60 = arith.constant 128 : i32
      %mul3A_61 = arith.muli %squeeze3A_59, %mul3A_60 : i32
      %add3A_62 = arith.addi %mul3A_2, %mul3A_22 : i32
      %add3A_63 = arith.constant 2 : i32
      %add3A_64 = arith.addi %add3A_62, %add3A_63 : i32
      %mul3A_65 = arith.constant 128 : i32
      %mul3A_66 = arith.muli %add3A_64, %mul3A_65 : i32
      %dma_start3A_67 = tpu.memref_slice %arg5[%mul3A_61] : memref<1536xf32, #tpu.memory_space<vmem>> -> memref<128xf32, #tpu.memory_space<vmem>>
      %dma_start3A_68 = tpu.memref_slice %arg4[%mul3A_66] : memref<2097152xf32, #tpu.memory_space<hbm>> -> memref<128xf32, #tpu.memory_space<hbm>>
      %dma_start3A_69 = tpu.memref_slice %arg4[%mul3A_66] : memref<2097152xf32, #tpu.memory_space<hbm>> -> memref<128xf32, #tpu.memory_space<hbm>>
      %dma_start3A_70 = tpu.memref_slice %arg5[%mul3A_61] : memref<1536xf32, #tpu.memory_space<vmem>> -> memref<128xf32, #tpu.memory_space<vmem>>
      tpu.enqueue_dma source(%dma_start3A_70 : memref<128xf32, #tpu.memory_space<vmem>>) target(%dma_start3A_69 : memref<128xf32, #tpu.memory_space<hbm>>) target_semaphore(%arg9 : memref<!tpu.dma_semaphore, #tpu.memory_space<semaphore_mem>>)
      %slice3A_71 = vector.extract_strided_slice %get3A_26 {offsets = [6], sizes = [1], strides = [1]} : vector<16xi32> to vector<1xi32>
      %squeeze3A_72 = vector.extract %slice3A_71[0] : i32 from vector<1xi32>
      %mul3A_73 = arith.constant 128 : i32
      %mul3A_74 = arith.muli %squeeze3A_72, %mul3A_73 : i32
      %add3A_75 = arith.addi %mul3A_2, %mul3A_22 : i32
      %add3A_76 = arith.constant 3 : i32
      %add3A_77 = arith.addi %add3A_75, %add3A_76 : i32
      %mul3A_78 = arith.constant 128 : i32
      %mul3A_79 = arith.muli %add3A_77, %mul3A_78 : i32
      %dma_start3A_80 = tpu.memref_slice %arg5[%mul3A_74] : memref<1536xf32, #tpu.memory_space<vmem>> -> memref<128xf32, #tpu.memory_space<vmem>>
      %dma_start3A_81 = tpu.memref_slice %arg4[%mul3A_79] : memref<2097152xf32, #tpu.memory_space<hbm>> -> memref<128xf32, #tpu.memory_space<hbm>>
      %dma_start3A_82 = tpu.memref_slice %arg4[%mul3A_79] : memref<2097152xf32, #tpu.memory_space<hbm>> -> memref<128xf32, #tpu.memory_space<hbm>>
      %dma_start3A_83 = tpu.memref_slice %arg5[%mul3A_74] : memref<1536xf32, #tpu.memory_space<vmem>> -> memref<128xf32, #tpu.memory_space<vmem>>
      tpu.enqueue_dma source(%dma_start3A_83 : memref<128xf32, #tpu.memory_space<vmem>>) target(%dma_start3A_82 : memref<128xf32, #tpu.memory_space<hbm>>) target_semaphore(%arg9 : memref<!tpu.dma_semaphore, #tpu.memory_space<semaphore_mem>>)
      %slice3A_84 = vector.extract_strided_slice %get3A_26 {offsets = [8], sizes = [1], strides = [1]} : vector<16xi32> to vector<1xi32>
      %squeeze3A_85 = vector.extract %slice3A_84[0] : i32 from vector<1xi32>
      %mul3A_86 = arith.constant 128 : i32
      %mul3A_87 = arith.muli %squeeze3A_85, %mul3A_86 : i32
      %add3A_88 = arith.addi %mul3A_2, %mul3A_22 : i32
      %add3A_89 = arith.constant 4 : i32
      %add3A_90 = arith.addi %add3A_88, %add3A_89 : i32
      %mul3A_91 = arith.constant 128 : i32
      %mul3A_92 = arith.muli %add3A_90, %mul3A_91 : i32
      %dma_start3A_93 = tpu.memref_slice %arg5[%mul3A_87] : memref<1536xf32, #tpu.memory_space<vmem>> -> memref<128xf32, #tpu.memory_space<vmem>>
      %dma_start3A_94 = tpu.memref_slice %arg4[%mul3A_92] : memref<2097152xf32, #tpu.memory_space<hbm>> -> memref<128xf32, #tpu.memory_space<hbm>>
      %dma_start3A_95 = tpu.memref_slice %arg4[%mul3A_92] : memref<2097152xf32, #tpu.memory_space<hbm>> -> memref<128xf32, #tpu.memory_space<hbm>>
      %dma_start3A_96 = tpu.memref_slice %arg5[%mul3A_87] : memref<1536xf32, #tpu.memory_space<vmem>> -> memref<128xf32, #tpu.memory_space<vmem>>
      tpu.enqueue_dma source(%dma_start3A_96 : memref<128xf32, #tpu.memory_space<vmem>>) target(%dma_start3A_95 : memref<128xf32, #tpu.memory_space<hbm>>) target_semaphore(%arg9 : memref<!tpu.dma_semaphore, #tpu.memory_space<semaphore_mem>>)
      %slice3A_97 = vector.extract_strided_slice %get3A_26 {offsets = [10], sizes = [1], strides = [1]} : vector<16xi32> to vector<1xi32>
      %squeeze3A_98 = vector.extract %slice3A_97[0] : i32 from vector<1xi32>
      %mul3A_99 = arith.constant 128 : i32
      %mul3A_100 = arith.muli %squeeze3A_98, %mul3A_99 : i32
      %add3A_101 = arith.addi %mul3A_2, %mul3A_22 : i32
      %add3A_102 = arith.constant 5 : i32
      %add3A_103 = arith.addi %add3A_101, %add3A_102 : i32
      %mul3A_104 = arith.constant 128 : i32
      %mul3A_105 = arith.muli %add3A_103, %mul3A_104 : i32
      %dma_start3A_106 = tpu.memref_slice %arg5[%mul3A_100] : memref<1536xf32, #tpu.memory_space<vmem>> -> memref<128xf32, #tpu.memory_space<vmem>>
      %dma_start3A_107 = tpu.memref_slice %arg4[%mul3A_105] : memref<2097152xf32, #tpu.memory_space<hbm>> -> memref<128xf32, #tpu.memory_space<hbm>>
      %dma_start3A_108 = tpu.memref_slice %arg4[%mul3A_105] : memref<2097152xf32, #tpu.memory_space<hbm>> -> memref<128xf32, #tpu.memory_space<hbm>>
      %dma_start3A_109 = tpu.memref_slice %arg5[%mul3A_100] : memref<1536xf32, #tpu.memory_space<vmem>> -> memref<128xf32, #tpu.memory_space<vmem>>
      tpu.enqueue_dma source(%dma_start3A_109 : memref<128xf32, #tpu.memory_space<vmem>>) target(%dma_start3A_108 : memref<128xf32, #tpu.memory_space<hbm>>) target_semaphore(%arg9 : memref<!tpu.dma_semaphore, #tpu.memory_space<semaphore_mem>>)
      %slice3A_110 = vector.extract_strided_slice %get3A_26 {offsets = [12], sizes = [1], strides = [1]} : vector<16xi32> to vector<1xi32>
      %squeeze3A_111 = vector.extract %slice3A_110[0] : i32 from vector<1xi32>
      %mul3A_112 = arith.constant 128 : i32
      %mul3A_113 = arith.muli %squeeze3A_111, %mul3A_112 : i32
      %add3A_114 = arith.addi %mul3A_2, %mul3A_22 : i32
      %add3A_115 = arith.constant 6 : i32
      %add3A_116 = arith.addi %add3A_114, %add3A_115 : i32
      %mul3A_117 = arith.constant 128 : i32
      %mul3A_118 = arith.muli %add3A_116, %mul3A_117 : i32
      %dma_start3A_119 = tpu.memref_slice %arg5[%mul3A_113] : memref<1536xf32, #tpu.memory_space<vmem>> -> memref<128xf32, #tpu.memory_space<vmem>>
      %dma_start3A_120 = tpu.memref_slice %arg4[%mul3A_118] : memref<2097152xf32, #tpu.memory_space<hbm>> -> memref<128xf32, #tpu.memory_space<hbm>>
      %dma_start3A_121 = tpu.memref_slice %arg4[%mul3A_118] : memref<2097152xf32, #tpu.memory_space<hbm>> -> memref<128xf32, #tpu.memory_space<hbm>>
      %dma_start3A_122 = tpu.memref_slice %arg5[%mul3A_113] : memref<1536xf32, #tpu.memory_space<vmem>> -> memref<128xf32, #tpu.memory_space<vmem>>
      tpu.enqueue_dma source(%dma_start3A_122 : memref<128xf32, #tpu.memory_space<vmem>>) target(%dma_start3A_121 : memref<128xf32, #tpu.memory_space<hbm>>) target_semaphore(%arg9 : memref<!tpu.dma_semaphore, #tpu.memory_space<semaphore_mem>>)
      %slice3A_123 = vector.extract_strided_slice %get3A_26 {offsets = [14], sizes = [1], strides = [1]} : vector<16xi32> to vector<1xi32>
      %squeeze3A_124 = vector.extract %slice3A_123[0] : i32 from vector<1xi32>
      %mul3A_125 = arith.constant 128 : i32
      %mul3A_126 = arith.muli %squeeze3A_124, %mul3A_125 : i32
      %add3A_127 = arith.addi %mul3A_2, %mul3A_22 : i32
      %add3A_128 = arith.constant 7 : i32
      %add3A_129 = arith.addi %add3A_127, %add3A_128 : i32
      %mul3A_130 = arith.constant 128 : i32
      %mul3A_131 = arith.muli %add3A_129, %mul3A_130 : i32
      %dma_start3A_132 = tpu.memref_slice %arg5[%mul3A_126] : memref<1536xf32, #tpu.memory_space<vmem>> -> memref<128xf32, #tpu.memory_space<vmem>>
      %dma_start3A_133 = tpu.memref_slice %arg4[%mul3A_131] : memref<2097152xf32, #tpu.memory_space<hbm>> -> memref<128xf32, #tpu.memory_space<hbm>>
      %dma_start3A_134 = tpu.memref_slice %arg4[%mul3A_131] : memref<2097152xf32, #tpu.memory_space<hbm>> -> memref<128xf32, #tpu.memory_space<hbm>>
      %dma_start3A_135 = tpu.memref_slice %arg5[%mul3A_126] : memref<1536xf32, #tpu.memory_space<vmem>> -> memref<128xf32, #tpu.memory_space<vmem>>
      tpu.enqueue_dma source(%dma_start3A_135 : memref<128xf32, #tpu.memory_space<vmem>>) target(%dma_start3A_134 : memref<128xf32, #tpu.memory_space<hbm>>) target_semaphore(%arg9 : memref<!tpu.dma_semaphore, #tpu.memory_space<semaphore_mem>>)
      %slice3A_136 = vector.extract_strided_slice %get3A_33 {offsets = [0], sizes = [1], strides = [1]} : vector<16xi32> to vector<1xi32>
      %squeeze3A_137 = vector.extract %slice3A_136[0] : i32 from vector<1xi32>
      %mul3A_138 = arith.constant 128 : i32
      %mul3A_139 = arith.muli %squeeze3A_137, %mul3A_138 : i32
      %add3A_140 = arith.addi %mul3A_2, %mul3A_22 : i32
      %add3A_141 = arith.constant 8 : i32
      %add3A_142 = arith.addi %add3A_140, %add3A_141 : i32
      %mul3A_143 = arith.constant 128 : i32
      %mul3A_144 = arith.muli %add3A_142, %mul3A_143 : i32
      %dma_start3A_145 = tpu.memref_slice %arg5[%mul3A_139] : memref<1536xf32, #tpu.memory_space<vmem>> -> memref<128xf32, #tpu.memory_space<vmem>>
      %dma_start3A_146 = tpu.memref_slice %arg4[%mul3A_144] : memref<2097152xf32, #tpu.memory_space<hbm>> -> memref<128xf32, #tpu.memory_space<hbm>>
      %dma_start3A_147 = tpu.memref_slice %arg4[%mul3A_144] : memref<2097152xf32, #tpu.memory_space<hbm>> -> memref<128xf32, #tpu.memory_space<hbm>>
      %dma_start3A_148 = tpu.memref_slice %arg5[%mul3A_139] : memref<1536xf32, #tpu.memory_space<vmem>> -> memref<128xf32, #tpu.memory_space<vmem>>
      tpu.enqueue_dma source(%dma_start3A_148 : memref<128xf32, #tpu.memory_space<vmem>>) target(%dma_start3A_147 : memref<128xf32, #tpu.memory_space<hbm>>) target_semaphore(%arg9 : memref<!tpu.dma_semaphore, #tpu.memory_space<semaphore_mem>>)
      %slice3A_149 = vector.extract_strided_slice %get3A_33 {offsets = [2], sizes = [1], strides = [1]} : vector<16xi32> to vector<1xi32>
      %squeeze3A_150 = vector.extract %slice3A_149[0] : i32 from vector<1xi32>
      %mul3A_151 = arith.constant 128 : i32
      %mul3A_152 = arith.muli %squeeze3A_150, %mul3A_151 : i32
      %add3A_153 = arith.addi %mul3A_2, %mul3A_22 : i32
      %add3A_154 = arith.constant 9 : i32
      %add3A_155 = arith.addi %add3A_153, %add3A_154 : i32
      %mul3A_156 = arith.constant 128 : i32
      %mul3A_157 = arith.muli %add3A_155, %mul3A_156 : i32
      %dma_start3A_158 = tpu.memref_slice %arg5[%mul3A_152] : memref<1536xf32, #tpu.memory_space<vmem>> -> memref<128xf32, #tpu.memory_space<vmem>>
      %dma_start3A_159 = tpu.memref_slice %arg4[%mul3A_157] : memref<2097152xf32, #tpu.memory_space<hbm>> -> memref<128xf32, #tpu.memory_space<hbm>>
      %dma_start3A_160 = tpu.memref_slice %arg4[%mul3A_157] : memref<2097152xf32, #tpu.memory_space<hbm>> -> memref<128xf32, #tpu.memory_space<hbm>>
      %dma_start3A_161 = tpu.memref_slice %arg5[%mul3A_152] : memref<1536xf32, #tpu.memory_space<vmem>> -> memref<128xf32, #tpu.memory_space<vmem>>
      tpu.enqueue_dma source(%dma_start3A_161 : memref<128xf32, #tpu.memory_space<vmem>>) target(%dma_start3A_160 : memref<128xf32, #tpu.memory_space<hbm>>) target_semaphore(%arg9 : memref<!tpu.dma_semaphore, #tpu.memory_space<semaphore_mem>>)
      %slice3A_162 = vector.extract_strided_slice %get3A_33 {offsets = [4], sizes = [1], strides = [1]} : vector<16xi32> to vector<1xi32>
      %squeeze3A_163 = vector.extract %slice3A_162[0] : i32 from vector<1xi32>
      %mul3A_164 = arith.constant 128 : i32
      %mul3A_165 = arith.muli %squeeze3A_163, %mul3A_164 : i32
      %add3A_166 = arith.addi %mul3A_2, %mul3A_22 : i32
      %add3A_167 = arith.constant 10 : i32
      %add3A_168 = arith.addi %add3A_166, %add3A_167 : i32
      %mul3A_169 = arith.constant 128 : i32
      %mul3A_170 = arith.muli %add3A_168, %mul3A_169 : i32
      %dma_start3A_171 = tpu.memref_slice %arg5[%mul3A_165] : memref<1536xf32, #tpu.memory_space<vmem>> -> memref<128xf32, #tpu.memory_space<vmem>>
      %dma_start3A_172 = tpu.memref_slice %arg4[%mul3A_170] : memref<2097152xf32, #tpu.memory_space<hbm>> -> memref<128xf32, #tpu.memory_space<hbm>>
      %dma_start3A_173 = tpu.memref_slice %arg4[%mul3A_170] : memref<2097152xf32, #tpu.memory_space<hbm>> -> memref<128xf32, #tpu.memory_space<hbm>>
      %dma_start3A_174 = tpu.memref_slice %arg5[%mul3A_165] : memref<1536xf32, #tpu.memory_space<vmem>> -> memref<128xf32, #tpu.memory_space<vmem>>
      tpu.enqueue_dma source(%dma_start3A_174 : memref<128xf32, #tpu.memory_space<vmem>>) target(%dma_start3A_173 : memref<128xf32, #tpu.memory_space<hbm>>) target_semaphore(%arg9 : memref<!tpu.dma_semaphore, #tpu.memory_space<semaphore_mem>>)
      %slice3A_175 = vector.extract_strided_slice %get3A_33 {offsets = [6], sizes = [1], strides = [1]} : vector<16xi32> to vector<1xi32>
      %squeeze3A_176 = vector.extract %slice3A_175[0] : i32 from vector<1xi32>
      %mul3A_177 = arith.constant 128 : i32
      %mul3A_178 = arith.muli %squeeze3A_176, %mul3A_177 : i32
      %add3A_179 = arith.addi %mul3A_2, %mul3A_22 : i32
      %add3A_180 = arith.constant 11 : i32
      %add3A_181 = arith.addi %add3A_179, %add3A_180 : i32
      %mul3A_182 = arith.constant 128 : i32
      %mul3A_183 = arith.muli %add3A_181, %mul3A_182 : i32
      %dma_start3A_184 = tpu.memref_slice %arg5[%mul3A_178] : memref<1536xf32, #tpu.memory_space<vmem>> -> memref<128xf32, #tpu.memory_space<vmem>>
      %dma_start3A_185 = tpu.memref_slice %arg4[%mul3A_183] : memref<2097152xf32, #tpu.memory_space<hbm>> -> memref<128xf32, #tpu.memory_space<hbm>>
      %dma_start3A_186 = tpu.memref_slice %arg4[%mul3A_183] : memref<2097152xf32, #tpu.memory_space<hbm>> -> memref<128xf32, #tpu.memory_space<hbm>>
      %dma_start3A_187 = tpu.memref_slice %arg5[%mul3A_178] : memref<1536xf32, #tpu.memory_space<vmem>> -> memref<128xf32, #tpu.memory_space<vmem>>
      tpu.enqueue_dma source(%dma_start3A_187 : memref<128xf32, #tpu.memory_space<vmem>>) target(%dma_start3A_186 : memref<128xf32, #tpu.memory_space<hbm>>) target_semaphore(%arg9 : memref<!tpu.dma_semaphore, #tpu.memory_space<semaphore_mem>>)
      %slice3A_188 = vector.extract_strided_slice %get3A_33 {offsets = [8], sizes = [1], strides = [1]} : vector<16xi32> to vector<1xi32>
      %squeeze3A_189 = vector.extract %slice3A_188[0] : i32 from vector<1xi32>
      %mul3A_190 = arith.constant 128 : i32
      %mul3A_191 = arith.muli %squeeze3A_189, %mul3A_190 : i32
      %add3A_192 = arith.addi %mul3A_2, %mul3A_22 : i32
      %add3A_193 = arith.constant 12 : i32
      %add3A_194 = arith.addi %add3A_192, %add3A_193 : i32
      %mul3A_195 = arith.constant 128 : i32
      %mul3A_196 = arith.muli %add3A_194, %mul3A_195 : i32
      %dma_start3A_197 = tpu.memref_slice %arg5[%mul3A_191] : memref<1536xf32, #tpu.memory_space<vmem>> -> memref<128xf32, #tpu.memory_space<vmem>>
      %dma_start3A_198 = tpu.memref_slice %arg4[%mul3A_196] : memref<2097152xf32, #tpu.memory_space<hbm>> -> memref<128xf32, #tpu.memory_space<hbm>>
      %dma_start3A_199 = tpu.memref_slice %arg4[%mul3A_196] : memref<2097152xf32, #tpu.memory_space<hbm>> -> memref<128xf32, #tpu.memory_space<hbm>>
      %dma_start3A_200 = tpu.memref_slice %arg5[%mul3A_191] : memref<1536xf32, #tpu.memory_space<vmem>> -> memref<128xf32, #tpu.memory_space<vmem>>
      tpu.enqueue_dma source(%dma_start3A_200 : memref<128xf32, #tpu.memory_space<vmem>>) target(%dma_start3A_199 : memref<128xf32, #tpu.memory_space<hbm>>) target_semaphore(%arg9 : memref<!tpu.dma_semaphore, #tpu.memory_space<semaphore_mem>>)
      %slice3A_201 = vector.extract_strided_slice %get3A_33 {offsets = [10], sizes = [1], strides = [1]} : vector<16xi32> to vector<1xi32>
      %squeeze3A_202 = vector.extract %slice3A_201[0] : i32 from vector<1xi32>
      %mul3A_203 = arith.constant 128 : i32
      %mul3A_204 = arith.muli %squeeze3A_202, %mul3A_203 : i32
      %add3A_205 = arith.addi %mul3A_2, %mul3A_22 : i32
      %add3A_206 = arith.constant 13 : i32
      %add3A_207 = arith.addi %add3A_205, %add3A_206 : i32
      %mul3A_208 = arith.constant 128 : i32
      %mul3A_209 = arith.muli %add3A_207, %mul3A_208 : i32
      %dma_start3A_210 = tpu.memref_slice %arg5[%mul3A_204] : memref<1536xf32, #tpu.memory_space<vmem>> -> memref<128xf32, #tpu.memory_space<vmem>>
      %dma_start3A_211 = tpu.memref_slice %arg4[%mul3A_209] : memref<2097152xf32, #tpu.memory_space<hbm>> -> memref<128xf32, #tpu.memory_space<hbm>>
      %dma_start3A_212 = tpu.memref_slice %arg4[%mul3A_209] : memref<2097152xf32, #tpu.memory_space<hbm>> -> memref<128xf32, #tpu.memory_space<hbm>>
      %dma_start3A_213 = tpu.memref_slice %arg5[%mul3A_204] : memref<1536xf32, #tpu.memory_space<vmem>> -> memref<128xf32, #tpu.memory_space<vmem>>
      tpu.enqueue_dma source(%dma_start3A_213 : memref<128xf32, #tpu.memory_space<vmem>>) target(%dma_start3A_212 : memref<128xf32, #tpu.memory_space<hbm>>) target_semaphore(%arg9 : memref<!tpu.dma_semaphore, #tpu.memory_space<semaphore_mem>>)
      %slice3A_214 = vector.extract_strided_slice %get3A_33 {offsets = [12], sizes = [1], strides = [1]} : vector<16xi32> to vector<1xi32>
      %squeeze3A_215 = vector.extract %slice3A_214[0] : i32 from vector<1xi32>
      %mul3A_216 = arith.constant 128 : i32
      %mul3A_217 = arith.muli %squeeze3A_215, %mul3A_216 : i32
      %add3A_218 = arith.addi %mul3A_2, %mul3A_22 : i32
      %add3A_219 = arith.constant 14 : i32
      %add3A_220 = arith.addi %add3A_218, %add3A_219 : i32
      %mul3A_221 = arith.constant 128 : i32
      %mul3A_222 = arith.muli %add3A_220, %mul3A_221 : i32
      %dma_start3A_223 = tpu.memref_slice %arg5[%mul3A_217] : memref<1536xf32, #tpu.memory_space<vmem>> -> memref<128xf32, #tpu.memory_space<vmem>>
      %dma_start3A_224 = tpu.memref_slice %arg4[%mul3A_222] : memref<2097152xf32, #tpu.memory_space<hbm>> -> memref<128xf32, #tpu.memory_space<hbm>>
      %dma_start3A_225 = tpu.memref_slice %arg4[%mul3A_222] : memref<2097152xf32, #tpu.memory_space<hbm>> -> memref<128xf32, #tpu.memory_space<hbm>>
      %dma_start3A_226 = tpu.memref_slice %arg5[%mul3A_217] : memref<1536xf32, #tpu.memory_space<vmem>> -> memref<128xf32, #tpu.memory_space<vmem>>
      tpu.enqueue_dma source(%dma_start3A_226 : memref<128xf32, #tpu.memory_space<vmem>>) target(%dma_start3A_225 : memref<128xf32, #tpu.memory_space<hbm>>) target_semaphore(%arg9 : memref<!tpu.dma_semaphore, #tpu.memory_space<semaphore_mem>>)
      %slice3A_227 = vector.extract_strided_slice %get3A_33 {offsets = [14], sizes = [1], strides = [1]} : vector<16xi32> to vector<1xi32>
      %squeeze3A_228 = vector.extract %slice3A_227[0] : i32 from vector<1xi32>
      %mul3A_229 = arith.constant 128 : i32
      %mul3A_230 = arith.muli %squeeze3A_228, %mul3A_229 : i32
      %add3A_231 = arith.addi %mul3A_2, %mul3A_22 : i32
      %add3A_232 = arith.constant 15 : i32
      %add3A_233 = arith.addi %add3A_231, %add3A_232 : i32
      %mul3A_234 = arith.constant 128 : i32
      %mul3A_235 = arith.muli %add3A_233, %mul3A_234 : i32
      %dma_start3A_236 = tpu.memref_slice %arg5[%mul3A_230] : memref<1536xf32, #tpu.memory_space<vmem>> -> memref<128xf32, #tpu.memory_space<vmem>>
      %dma_start3A_237 = tpu.memref_slice %arg4[%mul3A_235] : memref<2097152xf32, #tpu.memory_space<hbm>> -> memref<128xf32, #tpu.memory_space<hbm>>
      %dma_start3A_238 = tpu.memref_slice %arg4[%mul3A_235] : memref<2097152xf32, #tpu.memory_space<hbm>> -> memref<128xf32, #tpu.memory_space<hbm>>
      %dma_start3A_239 = tpu.memref_slice %arg5[%mul3A_230] : memref<1536xf32, #tpu.memory_space<vmem>> -> memref<128xf32, #tpu.memory_space<vmem>>
      tpu.enqueue_dma source(%dma_start3A_239 : memref<128xf32, #tpu.memory_space<vmem>>) target(%dma_start3A_238 : memref<128xf32, #tpu.memory_space<hbm>>) target_semaphore(%arg9 : memref<!tpu.dma_semaphore, #tpu.memory_space<semaphore_mem>>)
      %scan3A_240 = arith.constant 1 : i32
      %scan3A_241 = arith.addi %scan3A_20, %scan3A_240 : i32
      %mul3A_242 = arith.constant 16 : i32
      %mul3A_243 = arith.muli %scan3A_241, %mul3A_242 : i32
      %mul3A_244 = arith.constant 2 : i32
      %mul3A_245 = arith.muli %mul3A_243, %mul3A_244 : i32
      %get3A_246 = arith.index_cast %mul3A_245 : i32 to index
      %get3A_247 = tpu.vector_load %arg6[%get3A_246] {strides = array<i32>} : memref<2048xi32, #tpu.memory_space<vmem>>, vector<16xi32>,
      %get3A_248 = vector.shape_cast %get3A_247 : vector<16xi32> to vector<16xi32>
      %mul3A_249 = arith.constant 2 : i32
      %mul3A_250 = arith.muli %mul3A_243, %mul3A_249 : i32
      %add3A_251 = arith.constant 16 : i32
      %add3A_252 = arith.addi %mul3A_250, %add3A_251 : i32
      %get3A_253 = arith.index_cast %add3A_252 : i32 to index
      %get3A_254 = tpu.vector_load %arg6[%get3A_253] {strides = array<i32>} : memref<2048xi32, #tpu.memory_space<vmem>>, vector<16xi32>,
      %get3A_255 = vector.shape_cast %get3A_254 : vector<16xi32> to vector<16xi32>
      %slice3A_256 = vector.extract_strided_slice %get3A_248 {offsets = [0], sizes = [1], strides = [1]} : vector<16xi32> to vector<1xi32>
      %squeeze3A_257 = vector.extract %slice3A_256[0] : i32 from vector<1xi32>
      %mul3A_258 = arith.constant 128 : i32
      %mul3A_259 = arith.muli %squeeze3A_257, %mul3A_258 : i32
      %add3A_260 = arith.addi %mul3A_2, %mul3A_243 : i32
      %add3A_261 = arith.constant 0 : i32
      %add3A_262 = arith.addi %add3A_260, %add3A_261 : i32
      %mul3A_263 = arith.constant 128 : i32
      %mul3A_264 = arith.muli %add3A_262, %mul3A_263 : i32
      %dma_start3A_265 = tpu.memref_slice %arg5[%mul3A_259] : memref<1536xf32, #tpu.memory_space<vmem>> -> memref<128xf32, #tpu.memory_space<vmem>>
      %dma_start3A_266 = tpu.memref_slice %arg4[%mul3A_264] : memref<2097152xf32, #tpu.memory_space<hbm>> -> memref<128xf32, #tpu.memory_space<hbm>>
      %dma_start3A_267 = tpu.memref_slice %arg4[%mul3A_264] : memref<2097152xf32, #tpu.memory_space<hbm>> -> memref<128xf32, #tpu.memory_space<hbm>>
      %dma_start3A_268 = tpu.memref_slice %arg5[%mul3A_259] : memref<1536xf32, #tpu.memory_space<vmem>> -> memref<128xf32, #tpu.memory_space<vmem>>
      tpu.enqueue_dma source(%dma_start3A_268 : memref<128xf32, #tpu.memory_space<vmem>>) target(%dma_start3A_267 : memref<128xf32, #tpu.memory_space<hbm>>) target_semaphore(%arg9 : memref<!tpu.dma_semaphore, #tpu.memory_space<semaphore_mem>>)
      %slice3A_269 = vector.extract_strided_slice %get3A_248 {offsets = [2], sizes = [1], strides = [1]} : vector<16xi32> to vector<1xi32>
      %squeeze3A_270 = vector.extract %slice3A_269[0] : i32 from vector<1xi32>
      %mul3A_271 = arith.constant 128 : i32
      %mul3A_272 = arith.muli %squeeze3A_270, %mul3A_271 : i32
      %add3A_273 = arith.addi %mul3A_2, %mul3A_243 : i32
      %add3A_274 = arith.constant 1 : i32
      %add3A_275 = arith.addi %add3A_273, %add3A_274 : i32
      %mul3A_276 = arith.constant 128 : i32
      %mul3A_277 = arith.muli %add3A_275, %mul3A_276 : i32
      %dma_start3A_278 = tpu.memref_slice %arg5[%mul3A_272] : memref<1536xf32, #tpu.memory_space<vmem>> -> memref<128xf32, #tpu.memory_space<vmem>>
      %dma_start3A_279 = tpu.memref_slice %arg4[%mul3A_277] : memref<2097152xf32, #tpu.memory_space<hbm>> -> memref<128xf32, #tpu.memory_space<hbm>>
      %dma_start3A_280 = tpu.memref_slice %arg4[%mul3A_277] : memref<2097152xf32, #tpu.memory_space<hbm>> -> memref<128xf32, #tpu.memory_space<hbm>>
      %dma_start3A_281 = tpu.memref_slice %arg5[%mul3A_272] : memref<1536xf32, #tpu.memory_space<vmem>> -> memref<128xf32, #tpu.memory_space<vmem>>
      tpu.enqueue_dma source(%dma_start3A_281 : memref<128xf32, #tpu.memory_space<vmem>>) target(%dma_start3A_280 : memref<128xf32, #tpu.memory_space<hbm>>) target_semaphore(%arg9 : memref<!tpu.dma_semaphore, #tpu.memory_space<semaphore_mem>>)
      %slice3A_282 = vector.extract_strided_slice %get3A_248 {offsets = [4], sizes = [1], strides = [1]} : vector<16xi32> to vector<1xi32>
      %squeeze3A_283 = vector.extract %slice3A_282[0] : i32 from vector<1xi32>
      %mul3A_284 = arith.constant 128 : i32
      %mul3A_285 = arith.muli %squeeze3A_283, %mul3A_284 : i32
      %add3A_286 = arith.addi %mul3A_2, %mul3A_243 : i32
      %add3A_287 = arith.constant 2 : i32
      %add3A_288 = arith.addi %add3A_286, %add3A_287 : i32
      %mul3A_289 = arith.constant 128 : i32
      %mul3A_290 = arith.muli %add3A_288, %mul3A_289 : i32
      %dma_start3A_291 = tpu.memref_slice %arg5[%mul3A_285] : memref<1536xf32, #tpu.memory_space<vmem>> -> memref<128xf32, #tpu.memory_space<vmem>>
      %dma_start3A_292 = tpu.memref_slice %arg4[%mul3A_290] : memref<2097152xf32, #tpu.memory_space<hbm>> -> memref<128xf32, #tpu.memory_space<hbm>>
      %dma_start3A_293 = tpu.memref_slice %arg4[%mul3A_290] : memref<2097152xf32, #tpu.memory_space<hbm>> -> memref<128xf32, #tpu.memory_space<hbm>>
      %dma_start3A_294 = tpu.memref_slice %arg5[%mul3A_285] : memref<1536xf32, #tpu.memory_space<vmem>> -> memref<128xf32, #tpu.memory_space<vmem>>
      tpu.enqueue_dma source(%dma_start3A_294 : memref<128xf32, #tpu.memory_space<vmem>>) target(%dma_start3A_293 : memref<128xf32, #tpu.memory_space<hbm>>) target_semaphore(%arg9 : memref<!tpu.dma_semaphore, #tpu.memory_space<semaphore_mem>>)
      %slice3A_295 = vector.extract_strided_slice %get3A_248 {offsets = [6], sizes = [1], strides = [1]} : vector<16xi32> to vector<1xi32>
      %squeeze3A_296 = vector.extract %slice3A_295[0] : i32 from vector<1xi32>
      %mul3A_297 = arith.constant 128 : i32
      %mul3A_298 = arith.muli %squeeze3A_296, %mul3A_297 : i32
      %add3A_299 = arith.addi %mul3A_2, %mul3A_243 : i32
      %add3A_300 = arith.constant 3 : i32
      %add3A_301 = arith.addi %add3A_299, %add3A_300 : i32
      %mul3A_302 = arith.constant 128 : i32
      %mul3A_303 = arith.muli %add3A_301, %mul3A_302 : i32
      %dma_start3A_304 = tpu.memref_slice %arg5[%mul3A_298] : memref<1536xf32, #tpu.memory_space<vmem>> -> memref<128xf32, #tpu.memory_space<vmem>>
      %dma_start3A_305 = tpu.memref_slice %arg4[%mul3A_303] : memref<2097152xf32, #tpu.memory_space<hbm>> -> memref<128xf32, #tpu.memory_space<hbm>>
      %dma_start3A_306 = tpu.memref_slice %arg4[%mul3A_303] : memref<2097152xf32, #tpu.memory_space<hbm>> -> memref<128xf32, #tpu.memory_space<hbm>>
      %dma_start3A_307 = tpu.memref_slice %arg5[%mul3A_298] : memref<1536xf32, #tpu.memory_space<vmem>> -> memref<128xf32, #tpu.memory_space<vmem>>
      tpu.enqueue_dma source(%dma_start3A_307 : memref<128xf32, #tpu.memory_space<vmem>>) target(%dma_start3A_306 : memref<128xf32, #tpu.memory_space<hbm>>) target_semaphore(%arg9 : memref<!tpu.dma_semaphore, #tpu.memory_space<semaphore_mem>>)
      %slice3A_308 = vector.extract_strided_slice %get3A_248 {offsets = [8], sizes = [1], strides = [1]} : vector<16xi32> to vector<1xi32>
      %squeeze3A_309 = vector.extract %slice3A_308[0] : i32 from vector<1xi32>
      %mul3A_310 = arith.constant 128 : i32
      %mul3A_311 = arith.muli %squeeze3A_309, %mul3A_310 : i32
      %add3A_312 = arith.addi %mul3A_2, %mul3A_243 : i32
      %add3A_313 = arith.constant 4 : i32
      %add3A_314 = arith.addi %add3A_312, %add3A_313 : i32
      %mul3A_315 = arith.constant 128 : i32
      %mul3A_316 = arith.muli %add3A_314, %mul3A_315 : i32
      %dma_start3A_317 = tpu.memref_slice %arg5[%mul3A_311] : memref<1536xf32, #tpu.memory_space<vmem>> -> memref<128xf32, #tpu.memory_space<vmem>>
      %dma_start3A_318 = tpu.memref_slice %arg4[%mul3A_316] : memref<2097152xf32, #tpu.memory_space<hbm>> -> memref<128xf32, #tpu.memory_space<hbm>>
      %dma_start3A_319 = tpu.memref_slice %arg4[%mul3A_316] : memref<2097152xf32, #tpu.memory_space<hbm>> -> memref<128xf32, #tpu.memory_space<hbm>>
      %dma_start3A_320 = tpu.memref_slice %arg5[%mul3A_311] : memref<1536xf32, #tpu.memory_space<vmem>> -> memref<128xf32, #tpu.memory_space<vmem>>
      tpu.enqueue_dma source(%dma_start3A_320 : memref<128xf32, #tpu.memory_space<vmem>>) target(%dma_start3A_319 : memref<128xf32, #tpu.memory_space<hbm>>) target_semaphore(%arg9 : memref<!tpu.dma_semaphore, #tpu.memory_space<semaphore_mem>>)
      %slice3A_321 = vector.extract_strided_slice %get3A_248 {offsets = [10], sizes = [1], strides = [1]} : vector<16xi32> to vector<1xi32>
      %squeeze3A_322 = vector.extract %slice3A_321[0] : i32 from vector<1xi32>
      %mul3A_323 = arith.constant 128 : i32
      %mul3A_324 = arith.muli %squeeze3A_322, %mul3A_323 : i32
      %add3A_325 = arith.addi %mul3A_2, %mul3A_243 : i32
      %add3A_326 = arith.constant 5 : i32
      %add3A_327 = arith.addi %add3A_325, %add3A_326 : i32
      %mul3A_328 = arith.constant 128 : i32
      %mul3A_329 = arith.muli %add3A_327, %mul3A_328 : i32
      %dma_start3A_330 = tpu.memref_slice %arg5[%mul3A_324] : memref<1536xf32, #tpu.memory_space<vmem>> -> memref<128xf32, #tpu.memory_space<vmem>>
      %dma_start3A_331 = tpu.memref_slice %arg4[%mul3A_329] : memref<2097152xf32, #tpu.memory_space<hbm>> -> memref<128xf32, #tpu.memory_space<hbm>>
      %dma_start3A_332 = tpu.memref_slice %arg4[%mul3A_329] : memref<2097152xf32, #tpu.memory_space<hbm>> -> memref<128xf32, #tpu.memory_space<hbm>>
      %dma_start3A_333 = tpu.memref_slice %arg5[%mul3A_324] : memref<1536xf32, #tpu.memory_space<vmem>> -> memref<128xf32, #tpu.memory_space<vmem>>
      tpu.enqueue_dma source(%dma_start3A_333 : memref<128xf32, #tpu.memory_space<vmem>>) target(%dma_start3A_332 : memref<128xf32, #tpu.memory_space<hbm>>) target_semaphore(%arg9 : memref<!tpu.dma_semaphore, #tpu.memory_space<semaphore_mem>>)
      %slice3A_334 = vector.extract_strided_slice %get3A_248 {offsets = [12], sizes = [1], strides = [1]} : vector<16xi32> to vector<1xi32>
      %squeeze3A_335 = vector.extract %slice3A_334[0] : i32 from vector<1xi32>
      %mul3A_336 = arith.constant 128 : i32
      %mul3A_337 = arith.muli %squeeze3A_335, %mul3A_336 : i32
      %add3A_338 = arith.addi %mul3A_2, %mul3A_243 : i32
      %add3A_339 = arith.constant 6 : i32
      %add3A_340 = arith.addi %add3A_338, %add3A_339 : i32
      %mul3A_341 = arith.constant 128 : i32
      %mul3A_342 = arith.muli %add3A_340, %mul3A_341 : i32
      %dma_start3A_343 = tpu.memref_slice %arg5[%mul3A_337] : memref<1536xf32, #tpu.memory_space<vmem>> -> memref<128xf32, #tpu.memory_space<vmem>>
      %dma_start3A_344 = tpu.memref_slice %arg4[%mul3A_342] : memref<2097152xf32, #tpu.memory_space<hbm>> -> memref<128xf32, #tpu.memory_space<hbm>>
      %dma_start3A_345 = tpu.memref_slice %arg4[%mul3A_342] : memref<2097152xf32, #tpu.memory_space<hbm>> -> memref<128xf32, #tpu.memory_space<hbm>>
      %dma_start3A_346 = tpu.memref_slice %arg5[%mul3A_337] : memref<1536xf32, #tpu.memory_space<vmem>> -> memref<128xf32, #tpu.memory_space<vmem>>
      tpu.enqueue_dma source(%dma_start3A_346 : memref<128xf32, #tpu.memory_space<vmem>>) target(%dma_start3A_345 : memref<128xf32, #tpu.memory_space<hbm>>) target_semaphore(%arg9 : memref<!tpu.dma_semaphore, #tpu.memory_space<semaphore_mem>>)
      %slice3A_347 = vector.extract_strided_slice %get3A_248 {offsets = [14], sizes = [1], strides = [1]} : vector<16xi32> to vector<1xi32>
      %squeeze3A_348 = vector.extract %slice3A_347[0] : i32 from vector<1xi32>
      %mul3A_349 = arith.constant 128 : i32
      %mul3A_350 = arith.muli %squeeze3A_348, %mul3A_349 : i32
      %add3A_351 = arith.addi %mul3A_2, %mul3A_243 : i32
      %add3A_352 = arith.constant 7 : i32
      %add3A_353 = arith.addi %add3A_351, %add3A_352 : i32
      %mul3A_354 = arith.constant 128 : i32
      %mul3A_355 = arith.muli %add3A_353, %mul3A_354 : i32
      %dma_start3A_356 = tpu.memref_slice %arg5[%mul3A_350] : memref<1536xf32, #tpu.memory_space<vmem>> -> memref<128xf32, #tpu.memory_space<vmem>>
      %dma_start3A_357 = tpu.memref_slice %arg4[%mul3A_355] : memref<2097152xf32, #tpu.memory_space<hbm>> -> memref<128xf32, #tpu.memory_space<hbm>>
      %dma_start3A_358 = tpu.memref_slice %arg4[%mul3A_355] : memref<2097152xf32, #tpu.memory_space<hbm>> -> memref<128xf32, #tpu.memory_space<hbm>>
      %dma_start3A_359 = tpu.memref_slice %arg5[%mul3A_350] : memref<1536xf32, #tpu.memory_space<vmem>> -> memref<128xf32, #tpu.memory_space<vmem>>
      tpu.enqueue_dma source(%dma_start3A_359 : memref<128xf32, #tpu.memory_space<vmem>>) target(%dma_start3A_358 : memref<128xf32, #tpu.memory_space<hbm>>) target_semaphore(%arg9 : memref<!tpu.dma_semaphore, #tpu.memory_space<semaphore_mem>>)
      %slice3A_360 = vector.extract_strided_slice %get3A_255 {offsets = [0], sizes = [1], strides = [1]} : vector<16xi32> to vector<1xi32>
      %squeeze3A_361 = vector.extract %slice3A_360[0] : i32 from vector<1xi32>
      %mul3A_362 = arith.constant 128 : i32
      %mul3A_363 = arith.muli %squeeze3A_361, %mul3A_362 : i32
      %add3A_364 = arith.addi %mul3A_2, %mul3A_243 : i32
      %add3A_365 = arith.constant 8 : i32
      %add3A_366 = arith.addi %add3A_364, %add3A_365 : i32
      %mul3A_367 = arith.constant 128 : i32
      %mul3A_368 = arith.muli %add3A_366, %mul3A_367 : i32
      %dma_start3A_369 = tpu.memref_slice %arg5[%mul3A_363] : memref<1536xf32, #tpu.memory_space<vmem>> -> memref<128xf32, #tpu.memory_space<vmem>>
      %dma_start3A_370 = tpu.memref_slice %arg4[%mul3A_368] : memref<2097152xf32, #tpu.memory_space<hbm>> -> memref<128xf32, #tpu.memory_space<hbm>>
      %dma_start3A_371 = tpu.memref_slice %arg4[%mul3A_368] : memref<2097152xf32, #tpu.memory_space<hbm>> -> memref<128xf32, #tpu.memory_space<hbm>>
      %dma_start3A_372 = tpu.memref_slice %arg5[%mul3A_363] : memref<1536xf32, #tpu.memory_space<vmem>> -> memref<128xf32, #tpu.memory_space<vmem>>
      tpu.enqueue_dma source(%dma_start3A_372 : memref<128xf32, #tpu.memory_space<vmem>>) target(%dma_start3A_371 : memref<128xf32, #tpu.memory_space<hbm>>) target_semaphore(%arg9 : memref<!tpu.dma_semaphore, #tpu.memory_space<semaphore_mem>>)
      %slice3A_373 = vector.extract_strided_slice %get3A_255 {offsets = [2], sizes = [1], strides = [1]} : vector<16xi32> to vector<1xi32>
      %squeeze3A_374 = vector.extract %slice3A_373[0] : i32 from vector<1xi32>
      %mul3A_375 = arith.constant 128 : i32
      %mul3A_376 = arith.muli %squeeze3A_374, %mul3A_375 : i32
      %add3A_377 = arith.addi %mul3A_2, %mul3A_243 : i32
      %add3A_378 = arith.constant 9 : i32
      %add3A_379 = arith.addi %add3A_377, %add3A_378 : i32
      %mul3A_380 = arith.constant 128 : i32
      %mul3A_381 = arith.muli %add3A_379, %mul3A_380 : i32
      %dma_start3A_382 = tpu.memref_slice %arg5[%mul3A_376] : memref<1536xf32, #tpu.memory_space<vmem>> -> memref<128xf32, #tpu.memory_space<vmem>>
      %dma_start3A_383 = tpu.memref_slice %arg4[%mul3A_381] : memref<2097152xf32, #tpu.memory_space<hbm>> -> memref<128xf32, #tpu.memory_space<hbm>>
      %dma_start3A_384 = tpu.memref_slice %arg4[%mul3A_381] : memref<2097152xf32, #tpu.memory_space<hbm>> -> memref<128xf32, #tpu.memory_space<hbm>>
      %dma_start3A_385 = tpu.memref_slice %arg5[%mul3A_376] : memref<1536xf32, #tpu.memory_space<vmem>> -> memref<128xf32, #tpu.memory_space<vmem>>
      tpu.enqueue_dma source(%dma_start3A_385 : memref<128xf32, #tpu.memory_space<vmem>>) target(%dma_start3A_384 : memref<128xf32, #tpu.memory_space<hbm>>) target_semaphore(%arg9 : memref<!tpu.dma_semaphore, #tpu.memory_space<semaphore_mem>>)
      %slice3A_386 = vector.extract_strided_slice %get3A_255 {offsets = [4], sizes = [1], strides = [1]} : vector<16xi32> to vector<1xi32>
      %squeeze3A_387 = vector.extract %slice3A_386[0] : i32 from vector<1xi32>
      %mul3A_388 = arith.constant 128 : i32
      %mul3A_389 = arith.muli %squeeze3A_387, %mul3A_388 : i32
      %add3A_390 = arith.addi %mul3A_2, %mul3A_243 : i32
      %add3A_391 = arith.constant 10 : i32
      %add3A_392 = arith.addi %add3A_390, %add3A_391 : i32
      %mul3A_393 = arith.constant 128 : i32
      %mul3A_394 = arith.muli %add3A_392, %mul3A_393 : i32
      %dma_start3A_395 = tpu.memref_slice %arg5[%mul3A_389] : memref<1536xf32, #tpu.memory_space<vmem>> -> memref<128xf32, #tpu.memory_space<vmem>>
      %dma_start3A_396 = tpu.memref_slice %arg4[%mul3A_394] : memref<2097152xf32, #tpu.memory_space<hbm>> -> memref<128xf32, #tpu.memory_space<hbm>>
      %dma_start3A_397 = tpu.memref_slice %arg4[%mul3A_394] : memref<2097152xf32, #tpu.memory_space<hbm>> -> memref<128xf32, #tpu.memory_space<hbm>>
      %dma_start3A_398 = tpu.memref_slice %arg5[%mul3A_389] : memref<1536xf32, #tpu.memory_space<vmem>> -> memref<128xf32, #tpu.memory_space<vmem>>
      tpu.enqueue_dma source(%dma_start3A_398 : memref<128xf32, #tpu.memory_space<vmem>>) target(%dma_start3A_397 : memref<128xf32, #tpu.memory_space<hbm>>) target_semaphore(%arg9 : memref<!tpu.dma_semaphore, #tpu.memory_space<semaphore_mem>>)
      %slice3A_399 = vector.extract_strided_slice %get3A_255 {offsets = [6], sizes = [1], strides = [1]} : vector<16xi32> to vector<1xi32>
      %squeeze3A_400 = vector.extract %slice3A_399[0] : i32 from vector<1xi32>
      %mul3A_401 = arith.constant 128 : i32
      %mul3A_402 = arith.muli %squeeze3A_400, %mul3A_401 : i32
      %add3A_403 = arith.addi %mul3A_2, %mul3A_243 : i32
      %add3A_404 = arith.constant 11 : i32
      %add3A_405 = arith.addi %add3A_403, %add3A_404 : i32
      %mul3A_406 = arith.constant 128 : i32
      %mul3A_407 = arith.muli %add3A_405, %mul3A_406 : i32
      %dma_start3A_408 = tpu.memref_slice %arg5[%mul3A_402] : memref<1536xf32, #tpu.memory_space<vmem>> -> memref<128xf32, #tpu.memory_space<vmem>>
      %dma_start3A_409 = tpu.memref_slice %arg4[%mul3A_407] : memref<2097152xf32, #tpu.memory_space<hbm>> -> memref<128xf32, #tpu.memory_space<hbm>>
      %dma_start3A_410 = tpu.memref_slice %arg4[%mul3A_407] : memref<2097152xf32, #tpu.memory_space<hbm>> -> memref<128xf32, #tpu.memory_space<hbm>>
      %dma_start3A_411 = tpu.memref_slice %arg5[%mul3A_402] : memref<1536xf32, #tpu.memory_space<vmem>> -> memref<128xf32, #tpu.memory_space<vmem>>
      tpu.enqueue_dma source(%dma_start3A_411 : memref<128xf32, #tpu.memory_space<vmem>>) target(%dma_start3A_410 : memref<128xf32, #tpu.memory_space<hbm>>) target_semaphore(%arg9 : memref<!tpu.dma_semaphore, #tpu.memory_space<semaphore_mem>>)
      %slice3A_412 = vector.extract_strided_slice %get3A_255 {offsets = [8], sizes = [1], strides = [1]} : vector<16xi32> to vector<1xi32>
      %squeeze3A_413 = vector.extract %slice3A_412[0] : i32 from vector<1xi32>
      %mul3A_414 = arith.constant 128 : i32
      %mul3A_415 = arith.muli %squeeze3A_413, %mul3A_414 : i32
      %add3A_416 = arith.addi %mul3A_2, %mul3A_243 : i32
      %add3A_417 = arith.constant 12 : i32
      %add3A_418 = arith.addi %add3A_416, %add3A_417 : i32
      %mul3A_419 = arith.constant 128 : i32
      %mul3A_420 = arith.muli %add3A_418, %mul3A_419 : i32
      %dma_start3A_421 = tpu.memref_slice %arg5[%mul3A_415] : memref<1536xf32, #tpu.memory_space<vmem>> -> memref<128xf32, #tpu.memory_space<vmem>>
      %dma_start3A_422 = tpu.memref_slice %arg4[%mul3A_420] : memref<2097152xf32, #tpu.memory_space<hbm>> -> memref<128xf32, #tpu.memory_space<hbm>>
      %dma_start3A_423 = tpu.memref_slice %arg4[%mul3A_420] : memref<2097152xf32, #tpu.memory_space<hbm>> -> memref<128xf32, #tpu.memory_space<hbm>>
      %dma_start3A_424 = tpu.memref_slice %arg5[%mul3A_415] : memref<1536xf32, #tpu.memory_space<vmem>> -> memref<128xf32, #tpu.memory_space<vmem>>
      tpu.enqueue_dma source(%dma_start3A_424 : memref<128xf32, #tpu.memory_space<vmem>>) target(%dma_start3A_423 : memref<128xf32, #tpu.memory_space<hbm>>) target_semaphore(%arg9 : memref<!tpu.dma_semaphore, #tpu.memory_space<semaphore_mem>>)
      %slice3A_425 = vector.extract_strided_slice %get3A_255 {offsets = [10], sizes = [1], strides = [1]} : vector<16xi32> to vector<1xi32>
      %squeeze3A_426 = vector.extract %slice3A_425[0] : i32 from vector<1xi32>
      %mul3A_427 = arith.constant 128 : i32
      %mul3A_428 = arith.muli %squeeze3A_426, %mul3A_427 : i32
      %add3A_429 = arith.addi %mul3A_2, %mul3A_243 : i32
      %add3A_430 = arith.constant 13 : i32
      %add3A_431 = arith.addi %add3A_429, %add3A_430 : i32
      %mul3A_432 = arith.constant 128 : i32
      %mul3A_433 = arith.muli %add3A_431, %mul3A_432 : i32
      %dma_start3A_434 = tpu.memref_slice %arg5[%mul3A_428] : memref<1536xf32, #tpu.memory_space<vmem>> -> memref<128xf32, #tpu.memory_space<vmem>>
      %dma_start3A_435 = tpu.memref_slice %arg4[%mul3A_433] : memref<2097152xf32, #tpu.memory_space<hbm>> -> memref<128xf32, #tpu.memory_space<hbm>>
      %dma_start3A_436 = tpu.memref_slice %arg4[%mul3A_433] : memref<2097152xf32, #tpu.memory_space<hbm>> -> memref<128xf32, #tpu.memory_space<hbm>>
      %dma_start3A_437 = tpu.memref_slice %arg5[%mul3A_428] : memref<1536xf32, #tpu.memory_space<vmem>> -> memref<128xf32, #tpu.memory_space<vmem>>
      tpu.enqueue_dma source(%dma_start3A_437 : memref<128xf32, #tpu.memory_space<vmem>>) target(%dma_start3A_436 : memref<128xf32, #tpu.memory_space<hbm>>) target_semaphore(%arg9 : memref<!tpu.dma_semaphore, #tpu.memory_space<semaphore_mem>>)
      %slice3A_438 = vector.extract_strided_slice %get3A_255 {offsets = [12], sizes = [1], strides = [1]} : vector<16xi32> to vector<1xi32>
      %squeeze3A_439 = vector.extract %slice3A_438[0] : i32 from vector<1xi32>
      %mul3A_440 = arith.constant 128 : i32
      %mul3A_441 = arith.muli %squeeze3A_439, %mul3A_440 : i32
      %add3A_442 = arith.addi %mul3A_2, %mul3A_243 : i32
      %add3A_443 = arith.constant 14 : i32
      %add3A_444 = arith.addi %add3A_442, %add3A_443 : i32
      %mul3A_445 = arith.constant 128 : i32
      %mul3A_446 = arith.muli %add3A_444, %mul3A_445 : i32
      %dma_start3A_447 = tpu.memref_slice %arg5[%mul3A_441] : memref<1536xf32, #tpu.memory_space<vmem>> -> memref<128xf32, #tpu.memory_space<vmem>>
      %dma_start3A_448 = tpu.memref_slice %arg4[%mul3A_446] : memref<2097152xf32, #tpu.memory_space<hbm>> -> memref<128xf32, #tpu.memory_space<hbm>>
      %dma_start3A_449 = tpu.memref_slice %arg4[%mul3A_446] : memref<2097152xf32, #tpu.memory_space<hbm>> -> memref<128xf32, #tpu.memory_space<hbm>>
      %dma_start3A_450 = tpu.memref_slice %arg5[%mul3A_441] : memref<1536xf32, #tpu.memory_space<vmem>> -> memref<128xf32, #tpu.memory_space<vmem>>
      tpu.enqueue_dma source(%dma_start3A_450 : memref<128xf32, #tpu.memory_space<vmem>>) target(%dma_start3A_449 : memref<128xf32, #tpu.memory_space<hbm>>) target_semaphore(%arg9 : memref<!tpu.dma_semaphore, #tpu.memory_space<semaphore_mem>>)
      %slice3A_451 = vector.extract_strided_slice %get3A_255 {offsets = [14], sizes = [1], strides = [1]} : vector<16xi32> to vector<1xi32>
      %squeeze3A_452 = vector.extract %slice3A_451[0] : i32 from vector<1xi32>
      %mul3A_453 = arith.constant 128 : i32
      %mul3A_454 = arith.muli %squeeze3A_452, %mul3A_453 : i32
      %add3A_455 = arith.addi %mul3A_2, %mul3A_243 : i32
      %add3A_456 = arith.constant 15 : i32
      %add3A_457 = arith.addi %add3A_455, %add3A_456 : i32
      %mul3A_458 = arith.constant 128 : i32
      %mul3A_459 = arith.muli %add3A_457, %mul3A_458 : i32
      %dma_start3A_460 = tpu.memref_slice %arg5[%mul3A_454] : memref<1536xf32, #tpu.memory_space<vmem>> -> memref<128xf32, #tpu.memory_space<vmem>>
      %dma_start3A_461 = tpu.memref_slice %arg4[%mul3A_459] : memref<2097152xf32, #tpu.memory_space<hbm>> -> memref<128xf32, #tpu.memory_space<hbm>>
      %dma_start3A_462 = tpu.memref_slice %arg4[%mul3A_459] : memref<2097152xf32, #tpu.memory_space<hbm>> -> memref<128xf32, #tpu.memory_space<hbm>>
      %dma_start3A_463 = tpu.memref_slice %arg5[%mul3A_454] : memref<1536xf32, #tpu.memory_space<vmem>> -> memref<128xf32, #tpu.memory_space<vmem>>
      tpu.enqueue_dma source(%dma_start3A_463 : memref<128xf32, #tpu.memory_space<vmem>>) target(%dma_start3A_462 : memref<128xf32, #tpu.memory_space<hbm>>) target_semaphore(%arg9 : memref<!tpu.dma_semaphore, #tpu.memory_space<semaphore_mem>>)
    }
    %scan3A_11 = arith.constant 64 : i32
    %mul3A_12 = arith.constant 128 : i32
    %mul3A_13 = arith.muli %mul3A_2, %mul3A_12 : i32
    %dma_wait3A_14 = tpu.memref_slice %arg4[%mul3A_13] : memref<2097152xf32, #tpu.memory_space<hbm>> -> memref<65536xf32, #tpu.memory_space<hbm>>
    %dma_wait3A_15 = tpu.memref_slice %arg4[%mul3A_13] : memref<2097152xf32, #tpu.memory_space<hbm>> -> memref<65536xf32, #tpu.memory_space<hbm>>
    tpu.wait_dma2 semaphore(%arg9 : memref<!tpu.dma_semaphore, #tpu.memory_space<semaphore_mem>>) src(%dma_wait3A_15 : memref<65536xf32, #tpu.memory_space<hbm>>) dst(%arg7 : memref<65536xf32, #tpu.memory_space<vmem>>)
    %mul3A_16 = arith.constant 128 : i32
    %mul3A_17 = arith.muli %mul3A_2, %mul3A_16 : i32
    %dma_wait3A_18 = tpu.memref_slice %arg4[%mul3A_17] : memref<2097152xf32, #tpu.memory_space<hbm>> -> memref<65536xf32, #tpu.memory_space<hbm>>
    %dma_wait3A_19 = tpu.memref_slice %arg4[%mul3A_17] : memref<2097152xf32, #tpu.memory_space<hbm>> -> memref<65536xf32, #tpu.memory_space<hbm>>
    tpu.wait_dma2 semaphore(%arg9 : memref<!tpu.dma_semaphore, #tpu.memory_space<semaphore_mem>>) src(%dma_wait3A_19 : memref<65536xf32, #tpu.memory_space<hbm>>) dst(%arg7 : memref<65536xf32, #tpu.memory_space<vmem>>)
    return
  }
}

</mosaic_0001>

<sc_bundles>
// kernel: wrapper.3.cloned.1.call-start
scs
__scs_entry_jumppad:
0x0: {  	(pc) =	sbr.rel $0x88, $3  }
0x1: {  	(tag) =	ssettag $0x0;
	lr =	simm.s32 $0x1  }
0x2: {  	[smem:$0x3F9F] =	sst lr;
	_ =	strace $0xD0000000  }
0x3: {  	_ = 	snop  }
0x4: {  	_ = 	snop  }
0x5: {  	_ = 	snop  }
0x6: {  	_ = 	snop  }
0x7: {  	_ = 	snop  }
__scs_overlays_trampoline_lowered:
0x8: {  	[smem:$0x3FAE] =	sst s0  }
0x9: {  	[smem:$0x3FAF] =	sst s1  }
0xa: {  	[smem:$0x3FB0] =	sst s2  }
0xb: {  	[smem:$0x3FB1] =	sst s3  }
0xc: {  	[smem:$0x3FB2] =	sst s4  }
0xd: {  	[smem:$0x3FB3] =	sst s5  }
0xe: {  	[smem:$0x3FB4] =	sst s6  }
0xf: {  	[smem:$0x3FB5] =	sst s7  }
0x10: {  	[smem:$0x3FB6] =	sst s8  }
0x11: {  	[smem:$0x3FB7] =	sst s9;
	s0 =	simm.s32 @!p0 $0x0  }
0x12: {  	s1 =	sld [smem:$0x3F9D];
	s0 =	simm.s32 @p0 $0x1  }
0x13: {  	[smem:$0x3FB8] =	sst s0;
	s0 =	simm.s32 @!p1 $0x0  }
0x14: {  	s2 =	sld [smem:$0x3F9C];
	s0 =	simm.s32 @p1 $0x1  }
0x15: {  	[smem:$0x3FB9] =	sst s0;
	s0 =	simm.s32 @!p2 $0x0  }
0x16: {  	s3 =	sld [smem:$0x3FDB];
	s0 =	simm.s32 @p2 $0x1  }
0x17: {  	s4 =	simm.s32 $0x1BF5;
	[smem:$0x3FBB] =	sst s0  }
0x18: {  	s0 =	sld [smem:$0x3F9E];
	_ =	swait.ge [sflag:s4], $0x0  }
0x19: {  	s7 =	sld [smem:$0x3F9F]  }
0x1a: {  	s8 =	sadd.s32 $0xFFFFE003, lr  }
0x1b: {  	s9 =	sadd.s32 $0xFFFFFEF7, lr;
	s5 =	simm.s32 $0xFFFFFFFF;
	p2 =	slt.u32 s8, $0xFFFFF086  }
0x1c: {  	p1 =	slt.u32 s9, $0xF7A;
	s5 =	simm.s32 @!p2 $0x0  }
0x1d: {  	s5 =	simm.s32 @p1 $0x1;
	p0 =	seq.s32 s7, s2  }
0x1e: {  	s7 =	smul.u32 @!p0 $0xF7A, s2;
	p2 =	seq.s32 @!p0 s5, $0x0  }
0x1f: {  	s9 =	smul.u32 $0xF7A, s1;
	s8 =	simm.s32 @!p0 $0x1BF5;
	p2 =	por !p2, p0  }
0x20: {  	[sflag:s8] =	ssyncset.s32 @!p0 $0xFFFFF086;
	s6 =	sadd.s32 @!p0 s3, s7;
	s7 =	simm.s32 @!p0 $0x108  }
0x21: {  	s3 =	sadd.s32 s3, s9;
	s6 =	sadd.s32 @!p0 $0x88, s6;
	s7 =	simm.s32 @p2 $0x1082  }
0x22: {  	[simem:s7], [sflag:s8] =	dma.local @!p0 [hbm:s6], $0xF7A  }
0x23: {  	s9 =	sor.u32 $0xD0000000, s2;
	s6 =	simm.s32 $0x108;
	_ =	swait.ge @!p0 [sflag:s8], $0x0  }
0x24: {  	s3 =	sadd.s32 $0x88, s3;
	s6 =	simm.s32 @!p1 $0x1082;
	[sflag:s4] =	ssyncset.s32 $0xFFFFF086  }
0x25: {  	[simem:s6], [sflag:s4] =	dma.local [hbm:s3], $0xF7A  }
0x26: {  	[smem:$0x3F9F] =	sst s1;
	(tag) =	ssettag s2;
	_ =	strace s9  }
0x27: {  	s1 =	sld [smem:$0x3FAF]  }
0x28: {  	s2 =	sld [smem:$0x3FB0]  }
0x29: {  	s4 =	sld [smem:$0x3FB2]  }
0x2a: {  	p0 =	seq.s32 s5, $0x0;
	s5 =	sld [smem:$0x3FB3]  }
0x2b: {  	s6 =	sld [smem:$0x3FB4]  }
0x2c: {  	s7 =	sld [smem:$0x3FB5]  }
0x2d: {  	s3 =	simm.s32 $0x108;
	s8 =	sld [smem:$0x3FB6]  }
0x2e: {  	s3 =	simm.s32 @!p0 $0x1082;
	s9 =	sld [smem:$0x3FB7]  }
0x2f: {  	lr =	sadd.s32 s0, s3;
	s0 =	sld [smem:$0x3FAE]  }
0x30: {  	s3 =	sld [smem:$0x3FB1]  }
0x31: {  	[smem:$0x3FBA] =	sst s10  }
0x32: {  	s10 =	sld [smem:$0x3FB8];
	_ =	sdelay $0x3  }
0x33: {  	p0 =	seq.s32 s10, $0x1;
	s10 =	sld [smem:$0x3FBA];
	_ =	sdelay $0x3  }
0x34: {  	[smem:$0x3FBA] =	sst s10  }
0x35: {  	s10 =	sld [smem:$0x3FB9];
	_ =	sdelay $0x3  }
0x36: {  	p1 =	seq.s32 s10, $0x1;
	s10 =	sld [smem:$0x3FBA];
	_ =	sdelay $0x3  }
0x37: {  	[smem:$0x3FBA] =	sst s10  }
0x38: {  	s10 =	sld [smem:$0x3FBB]  }
0x39: {  	_ = 	snop;
	(pc) =	sbr.ind lr, $3  }
0x3a: {  	_ = 	snop  }
0x3b: {  	_ = 	snop  }
0x3c: {  	p2 =	seq.s32 s10, $0x1;
	s10 =	sld [smem:$0x3FBA]  }
0x3d: {  	_ =	shalt  }
0x3e: {  	_ =	shalt  }
0x3f: {  	_ =	shalt  }
0x40: {  	_ =	shalt  }
0x41: {  	_ =	shalt  }
0x42: {  	_ =	shalt  }
0x43: {  	_ =	shalt  }
0x44: {  	_ =	shalt  }
0x45: {  	_ =	shalt  }
0x46: {  	_ =	shalt  }
0x47: {  	_ =	shalt  }
0x48: {  	_ =	shalt  }
0x49: {  	_ =	shalt  }
0x4a: {  	_ =	shalt  }
0x4b: {  	_ =	shalt  }
0x4c: {  	_ =	shalt  }
0x4d: {  	_ =	shalt  }
0x4e: {  	_ =	shalt  }
0x4f: {  	_ =	shalt  }
0x50: {  	_ =	shalt  }
0x51: {  	_ =	shalt  }
0x52: {  	_ =	shalt  }
0x53: {  	_ =	shalt  }
0x54: {  	_ =	shalt  }
0x55: {  	_ =	shalt  }
0x56: {  	_ =	shalt  }
0x57: {  	_ =	shalt  }
0x58: {  	_ =	shalt  }
0x59: {  	_ =	shalt  }
0x5a: {  	_ =	shalt  }
0x5b: {  	_ =	shalt  }
0x5c: {  	_ =	shalt  }
0x5d: {  	_ =	shalt  }
0x5e: {  	_ =	shalt  }
0x5f: {  	_ =	shalt  }
0x60: {  	_ =	shalt  }
0x61: {  	_ =	shalt  }
0x62: {  	_ =	shalt  }
0x63: {  	_ =	shalt  }
0x64: {  	_ =	shalt  }
0x65: {  	_ =	shalt  }
0x66: {  	_ =	shalt  }
0x67: {  	_ =	shalt  }
0x68: {  	_ =	shalt  }
0x69: {  	_ =	shalt  }
0x6a: {  	_ =	shalt  }
0x6b: {  	_ =	shalt  }
0x6c: {  	_ =	shalt  }
0x6d: {  	_ =	shalt  }
0x6e: {  	_ =	shalt  }
0x6f: {  	_ =	shalt  }
0x70: {  	_ =	shalt  }
0x71: {  	_ =	shalt  }
0x72: {  	_ =	shalt  }
0x73: {  	_ =	shalt  }
0x74: {  	_ =	shalt  }
0x75: {  	_ =	shalt  }
0x76: {  	_ =	shalt  }
0x77: {  	_ =	shalt  }
0x78: {  	_ =	shalt  }
0x79: {  	_ =	shalt  }
0x7a: {  	_ =	shalt  }
0x7b: {  	_ =	shalt  }
0x7c: {  	_ =	shalt  }
0x7d: {  	_ =	shalt  }
0x7e: {  	_ =	shalt  }
0x7f: {  	_ =	shalt  }
0x80: {  	_ =	shalt  }
0x81: {  	_ =	shalt  }
0x82: {  	_ =	shalt  }
0x83: {  	_ =	shalt  }
0x84: {  	_ =	shalt  }
0x85: {  	_ =	shalt  }
0x86: {  	_ =	shalt  }
0x87: {  	_ =	shalt  }
.Lfunc_end0:
.L_simem_size_0:
called_computation_lowered:
.L_overlay_start_0:
0x88: {  	s0 =	sld [smem:$0x3FD9]  }
0x89: {  	s1 =	sld [smem:$0x3FFE];
	_ =	sdelay $0x3  }
0x8a: {  	s0 =	sadd.s32 s1, s0  }
0x8b: {  	[smem:$0x3FC6] =	sst s0  }
0x8c: {  	_ = 	snop  }
0x8d: {  	s0 =	sld [smem:$0x3FC9]  }
0x8e: {  	s17 =	sld [smem:$0x3FC8]  }
0x8f: {  	s2 =	sld [smem:$0x3FD0];
	(tm) =	ssettm $0x1  }
0x90: {  	s3 =	sld [smem:$0x3FFB];
	_ =	sdelay $0x3  }
0x91: {  	_ =	strace s3  }
0x92: {  	s3 =	sld [smem:$0x3FFC];
	_ =	sdelay $0x3  }
0x93: {  	_ =	strace s3  }
0x94: {  	s3 =	sld [smem:$0x3FFD];
	_ =	sdelay $0x3  }
0x95: {  	_ =	strace s3  }
0x96: {  	_ =	strace $0x8FFFFFFF  }
0x97: {  	s18 =	sld [smem:$0x3FDB];
	_ =	sdelay $0x1  }
0x98: {  	s4 =	simm.s32 $_scs_section_size  }
0x99: {  	s5 =	simm.s32 $_size__tile_overlayer_lowered;
	s6 =	simm.s32 $_tile_overlayer_lowered  }
0x9a: {  	s21 =	simm.s32 $0x1BFF;
	s20 =	sshll.u32 s6, $0x1;
	s3 =	sadd.s32 s4, s18  }
0x9b: {  	s7 =	simm.s32 $0x0;
	s19 =	sshll.u32 s5, $0x1;
	s5 =	sadd.s32 s20, s3  }
0x9c: {  	[timem:s7], [sflag:s21] =	dma.local [hbm:s5], s19  }
0x9d: {  	_ =	swait.ge [sflag:s21], s19  }
0x9e: {  	s4 =	ssub.s32 $0x0, s19;
	[sflag:s21] =	ssyncset.done $0x0  }
0x9f: {  	[sflag:s21] =	ssyncadd.s32 s4;
	_ =	sdelay $0x1  }
0xa0: {  	s22 =	simm.s32 $0x1B8B  }
0xa1: {  	_ =	swait.ge [sflag:s22], $0x1  }
0xa2: {  	[sflag:s22] =	ssyncset.done $0x0  }
0xa3: {  	s23 =	simm.s32 $0x1B8E;
	[sflag:s22] =	ssyncadd.s32 $0xFFFFFFFF  }
0xa4: {  	s24 =	simm.s32 $execute0_lowered;
	[smem:$0x3FD2] =	sst s23  }
0xa5: {  	s4 =	sshll.u32 s24, $0x1;
	_ =	strace $0x80000046;
	[dreg:$0x1] =	wrdreg $0xFFFFFFFF  }
0xa6: {  	s25 =	simm.s32 $_size_execute0_lowered;
	s3 =	sadd.s32 s3, s4;
	[dreg:$0x0] =	wrdreg $0x0  }
0xa7: {  	s4 =	sshll.u32 s25, $0x1;
	[dreg:$0x2] =	wrdreg s3  }
0xa8: {  	[dreg:$0x3] =	wrdreg s4  }
0xa9: {  	[dreg:$0x4] =	wrdreg $0xC0  }
0xaa: {  	_ =	task [dreg:s7], $0x5FFFF  }
0xab: {  	[dreg:$0x1] =	wrdreg $0xFFFFFFFF  }
0xac: {  	[dreg:$0x0] =	wrdreg $0x60  }
0xad: {  	[dreg:$0x2] =	wrdreg s0  }
0xae: {  	[dreg:$0x3] =	wrdreg s17  }
0xaf: {  	[dreg:$0x4] =	wrdreg s2  }
0xb0: {  	[dreg:$0x5] =	wrdreg $0x9  }
0xb1: {  	_ =	task.clear_ibuf [dreg:s7], $0x6FFFF;
	_ =	strace $0x90000046  }
0xb2: {  	s26 =	simm.s32 $0x9;
	_ =	strace $0x80000048  }
0xb3: {  	_ =	swait.ge [sflag:s26], $0x1  }
0xb4: {  	[sflag:s26] =	ssyncadd.s32 $0xFFFFFFFF  }
0xb5: {  	_ =	strace $0x90000048  }
0xb6: {  	_ =	sfence  }
0xb7: {  	s28 =	sld [smem:$0x0];
	_ =	sdelay $0x1  }
0xb8: {  	s29 =	srdreg.scid  }
0xb9: {  	s30 =	sshll.u32 s29, $0xD;
	s31 =	sshrl.u32 s29, $0x2  }
0xba: {  	s1 =	sand.u32 $0x1, s29;
	s2 =	sand.u32 $0x4000, s30;
	s0 =	sadd.s32 s31, s28  }
0xbb: {  	s1 =	sor.u32 s2, s1;
	s0 =	sshll.u32 s0, $0x11  }
0xbc: {  	s0 =	sor.u32 s0, s1  }
0xbd: {  	s0 =	sadd.s32 $0x8F2B, s0  }
0xbe: {  	[sflag:s0] =	ssyncadd.remote.s32 $0x1  }
0xbf: {  	_ =	sfence.sel $0xFFFF  }
0xc0: {  	[dreg:$0x0] =	wrdreg $0xFFFFFFFF;
	(pc) =	sbr.abs _section_cstart, $3  }
0xc1: {  	[dreg:$0x1] =	wrdreg $0xFFFFFFFF  }
0xc2: {  	_ =	task.clear_ibuf [dreg:s7], $0x2FFFF;
	_ =	strace $0x9FFFFFFF  }
0xc3: {  	(tm) =	ssettm $0x7FFFFFFF  }
tec
execute0_lowered:
.L_overlay_start_1:
0x0: {  	(tag) =	ssettag $0x1  }
0x1: {  	s3 =	rddreg [dreg:$0x0]  }
0x2: {  	s4 =	rddreg [dreg:$0x1]  }
0x3: {  	s5 =	rddreg [dreg:$0x2];
	s2 =	simm.s32 $0x0  }
0x4: {  	s1 =	stileid.u32;
	[smem:$0x7FF] =	sst s2  }
0x5: {  	s0 =	rddreg [dreg:$0x3];
	s6 =	sshll.u32 s1, $0x8;
	_ =	strace $0x80000047  }
0x6: {  	[tilespmem:s2], [sflag:$0x1] =	stream.linear.gather [hbm4b:s4+s2], $0x600, $0x38;
	[tilespmem:$0xE00] =	vst v63  }
0x7: {  	s16 =	simm.s32 $0x600;
	s17 =	simm.s32 $0x1;
	s3 =	sadd.s32 s3, s6  }
0x8: {  	[tilespmem:s16], [sflag:$0x1] =	stream.linear.gather [hbm4b:s3+s2], $0x800, $0x38;
	[tilespmem:$0xE00] =	vst v63  }
0x9: {  	_ =	swait.ge [sflag:s17], $0x600  }
0xa: {  	[sflag:s17] =	ssyncset.done $0x0  }
0xb: {  	[sflag:s17] =	ssyncadd.s32 $0xFFFFFA00  }
0xc: {  	_ =	swait.ge [sflag:s17], $0x800  }
0xd: {  	[sflag:s17] =	ssyncset.done $0x0  }
0xe: {  	s4 =	simm.s32 $0x620;
	[sflag:s17] =	ssyncadd.s32 $0xFFFFF800  }
0xf: {  	v0 =	vld [tilespmem:s4+$0xFFFFFFE0];
	_ =	sdelay $0x4  }
0x10: {  	v0 =	vshll.u32 v0, $0x9  }
0x11: {  	v0 =	vshra.s32 v0, $0x2  }
0x12: {  	(v2sf) =	vpush v0, $0x0;
	_ =	sdelay $0x1  }
0x13: {  	(v2sf) =	vpush v0, $0x2;
	_ =	sdelay $0x1  }
0x14: {  	(v2sf) =	vpush v0, $0x4;
	_ =	sdelay $0x1  }
0x15: {  	(v2sf) =	vpush v0, $0x6;
	_ =	sdelay $0x1  }
0x16: {  	(v2sf) =	vpush v0, $0x8  }
0x17: {  	v1 =	vld [tilespmem:s4+$0xFFFFFFF0]  }
0x18: {  	(v2sf) =	vpush v0, $0xA;
	_ =	sdelay $0x1  }
0x19: {  	s18 =	sshll.u32 s1, $0xE;
	(v2sf) =	vpush v0, $0xC  }
0x1a: {  	s3 =	sadd.s32 s18, s5  }
0x1b: {  	s3 =	sadd.s32 $0x1F0, s3;
	v1 =	vshll.u32 v1, $0x9;
	(v2sf) =	vpush v0, $0xE  }
0x1c: {  	s19 =	sadd.s32 $0xFFFFFE10, s3;
	v60 =	vshra.s32 v1, $0x2;
	s20 =	spop (v2sf)  }
0x1d: {  	(v2sf) =	vpush v60, $0x0;
	[hbm4b:s19+s2] =	stream.linear.scatter [tilespmem:s20], [sflag:$0x2], $0x80, $0x38;
	[tilespmem:$0xE00] =	vst v63  }
0x1e: {  	s21 =	sadd.s32 $0xFFFFFE20, s3;
	s22 =	spop (v2sf)  }
0x1f: {  	(v2sf) =	vpush v60, $0x2;
	[hbm4b:s21+s2] =	stream.linear.scatter [tilespmem:s22], [sflag:$0x2], $0x80, $0x38;
	[tilespmem:$0xE00] =	vst v63  }
0x20: {  	s23 =	sadd.s32 $0xFFFFFE30, s3;
	s24 =	spop (v2sf)  }
0x21: {  	(v2sf) =	vpush v60, $0x4;
	[hbm4b:s23+s2] =	stream.linear.scatter [tilespmem:s24], [sflag:$0x2], $0x80, $0x38;
	[tilespmem:$0xE00] =	vst v63  }
0x22: {  	s25 =	sadd.s32 $0xFFFFFE40, s3;
	s26 =	spop (v2sf)  }
0x23: {  	(v2sf) =	vpush v60, $0x6;
	[hbm4b:s25+s2] =	stream.linear.scatter [tilespmem:s26], [sflag:$0x2], $0x80, $0x38;
	[tilespmem:$0xE00] =	vst v63  }
0x24: {  	s28 =	sadd.s32 $0xFFFFFE50, s3;
	s29 =	spop (v2sf)  }
0x25: {  	(v2sf) =	vpush v60, $0x8;
	[hbm4b:s28+s2] =	stream.linear.scatter [tilespmem:s29], [sflag:$0x2], $0x80, $0x38;
	[tilespmem:$0xE00] =	vst v63  }
0x26: {  	s30 =	sadd.s32 $0xFFFFFE60, s3;
	s31 =	spop (v2sf)  }
0x27: {  	(v2sf) =	vpush v60, $0xA;
	[hbm4b:s30+s2] =	stream.linear.scatter [tilespmem:s31], [sflag:$0x2], $0x80, $0x38;
	[tilespmem:$0xE00] =	vst v63  }
0x28: {  	s7 =	sadd.s32 $0xFFFFFE70, s3;
	s8 =	spop (v2sf)  }
0x29: {  	(v2sf) =	vpush v60, $0xC;
	[hbm4b:s7+s2] =	stream.linear.scatter [tilespmem:s8], [sflag:$0x2], $0x80, $0x38;
	[tilespmem:$0xE00] =	vst v63  }
0x2a: {  	s9 =	sadd.s32 $0xFFFFFE80, s3;
	s10 =	spop (v2sf)  }
0x2b: {  	(v2sf) =	vpush v60, $0xE;
	[hbm4b:s9+s2] =	stream.linear.scatter [tilespmem:s10], [sflag:$0x2], $0x80, $0x38;
	[tilespmem:$0xE00] =	vst v63  }
0x2c: {  	s11 =	sadd.s32 $0xFFFFFE90, s3;
	s12 =	spop (v2sf)  }
0x2d: {  	[hbm4b:s11+s2] =	stream.linear.scatter [tilespmem:s12], [sflag:$0x2], $0x80, $0x38;
	[tilespmem:$0xE00] =	vst v63  }
0x2e: {  	s13 =	sadd.s32 $0xFFFFFEA0, s3;
	s14 =	spop (v2sf)  }
0x2f: {  	[hbm4b:s13+s2] =	stream.linear.scatter [tilespmem:s14], [sflag:$0x2], $0x80, $0x38;
	[tilespmem:$0xE00] =	vst v63  }
0x30: {  	s15 =	sadd.s32 $0xFFFFFEB0, s3;
	s16 =	spop (v2sf)  }
0x31: {  	[hbm4b:s15+s2] =	stream.linear.scatter [tilespmem:s16], [sflag:$0x2], $0x80, $0x38;
	[tilespmem:$0xE00] =	vst v63  }
0x32: {  	s17 =	sadd.s32 $0xFFFFFEC0, s3;
	s18 =	spop (v2sf)  }
0x33: {  	[hbm4b:s17+s2] =	stream.linear.scatter [tilespmem:s18], [sflag:$0x2], $0x80, $0x38;
	[tilespmem:$0xE00] =	vst v63  }
0x34: {  	s19 =	sadd.s32 $0xFFFFFED0, s3;
	s20 =	spop (v2sf)  }
0x35: {  	[hbm4b:s19+s2] =	stream.linear.scatter [tilespmem:s20], [sflag:$0x2], $0x80, $0x38;
	[tilespmem:$0xE00] =	vst v63  }
0x36: {  	s21 =	sadd.s32 $0xFFFFFEE0, s3;
	s22 =	spop (v2sf)  }
0x37: {  	[hbm4b:s21+s2] =	stream.linear.scatter [tilespmem:s22], [sflag:$0x2], $0x80, $0x38;
	[tilespmem:$0xE00] =	vst v63  }
0x38: {  	s23 =	sadd.s32 $0xFFFFFEF0, s3;
	s24 =	spop (v2sf)  }
0x39: {  	[hbm4b:s23+s2] =	stream.linear.scatter [tilespmem:s24], [sflag:$0x2], $0x80, $0x38;
	[tilespmem:$0xE00] =	vst v63  }
0x3a: {  	s25 =	sadd.s32 $0xFFFFFF00, s3;
	s26 =	spop (v2sf)  }
0x3b: {  	[hbm4b:s25+s2] =	stream.linear.scatter [tilespmem:s26], [sflag:$0x2], $0x80, $0x38;
	[tilespmem:$0xE00] =	vst v63  }
0x3c: {  	v61 =	vld [tilespmem:s4+$0x0];
	_ =	sdelay $0x4  }
0x3d: {  	v0 =	vshll.u32 v61, $0x9  }
0x3e: {  	v0 =	vshra.s32 v0, $0x2  }
0x3f: {  	(v2sf) =	vpush v0, $0x0;
	_ =	sdelay $0x1  }
0x40: {  	(v2sf) =	vpush v0, $0x2;
	_ =	sdelay $0x1  }
0x41: {  	(v2sf) =	vpush v0, $0x4;
	_ =	sdelay $0x1  }
0x42: {  	(v2sf) =	vpush v0, $0x6;
	_ =	sdelay $0x1  }
0x43: {  	(v2sf) =	vpush v0, $0x8  }
0x44: {  	v62 =	vld [tilespmem:s4+$0x10]  }
0x45: {  	(v2sf) =	vpush v0, $0xA;
	_ =	sdelay $0x1  }
0x46: {  	(v2sf) =	vpush v0, $0xC;
	_ =	sdelay $0x1  }
0x47: {  	v1 =	vshll.u32 v62, $0x9;
	(v2sf) =	vpush v0, $0xE  }
0x48: {  	s28 =	sadd.s32 $0xFFFFFF10, s3;
	v63 =	vshra.s32 v1, $0x2;
	s29 =	spop (v2sf)  }
0x49: {  	(v2sf) =	vpush v63, $0x0;
	[hbm4b:s28+s2] =	stream.linear.scatter [tilespmem:s29], [sflag:$0x2], $0x80, $0x38;
	[tilespmem:$0xE00] =	vst v63  }
0x4a: {  	s30 =	sadd.s32 $0xFFFFFF20, s3;
	s31 =	spop (v2sf);
	(v2sf) =	vpush v63, $0x2  }
0x4b: {  	[hbm4b:s30+s2] =	stream.linear.scatter [tilespmem:s31], [sflag:$0x2], $0x80, $0x38;
	[tilespmem:$0xE00] =	vst v63  }
0x4c: {  	s5 =	sadd.s32 $0xFFFFFF30, s3;
	s6 =	spop (v2sf);
	(v2sf) =	vpush v63, $0x4  }
0x4d: {  	[hbm4b:s5+s2] =	stream.linear.scatter [tilespmem:s6], [sflag:$0x2], $0x80, $0x38;
	[tilespmem:$0xE00] =	vst v63  }
0x4e: {  	s7 =	sadd.s32 $0xFFFFFF40, s3;
	s8 =	spop (v2sf);
	(v2sf) =	vpush v63, $0x6  }
0x4f: {  	[hbm4b:s7+s2] =	stream.linear.scatter [tilespmem:s8], [sflag:$0x2], $0x80, $0x38;
	[tilespmem:$0xE00] =	vst v63  }
0x50: {  	s9 =	sadd.s32 $0xFFFFFF50, s3;
	s10 =	spop (v2sf);
	(v2sf) =	vpush v63, $0x8  }
0x51: {  	[hbm4b:s9+s2] =	stream.linear.scatter [tilespmem:s10], [sflag:$0x2], $0x80, $0x38;
	[tilespmem:$0xE00] =	vst v63  }
0x52: {  	s11 =	sadd.s32 $0xFFFFFF60, s3;
	s12 =	spop (v2sf);
	(v2sf) =	vpush v63, $0xA  }
0x53: {  	[hbm4b:s11+s2] =	stream.linear.scatter [tilespmem:s12], [sflag:$0x2], $0x80, $0x38;
	[tilespmem:$0xE00] =	vst v63  }
0x54: {  	s13 =	sadd.s32 $0xFFFFFF70, s3;
	s14 =	spop (v2sf);
	(v2sf) =	vpush v63, $0xC  }
0x55: {  	[hbm4b:s13+s2] =	stream.linear.scatter [tilespmem:s14], [sflag:$0x2], $0x80, $0x38;
	[tilespmem:$0xE00] =	vst v63  }
0x56: {  	s15 =	sadd.s32 $0xFFFFFF80, s3;
	s16 =	spop (v2sf);
	(v2sf) =	vpush v63, $0xE  }
0x57: {  	[hbm4b:s15+s2] =	stream.linear.scatter [tilespmem:s16], [sflag:$0x2], $0x80, $0x38;
	[tilespmem:$0xE00] =	vst v63  }
0x58: {  	s18 =	spop (v2sf)  }
0x59: {  	s17 =	sadd.s32 $0xFFFFFF90, s3;
	s20 =	spop (v2sf)  }
0x5a: {  	[hbm4b:s17+s2] =	stream.linear.scatter [tilespmem:s18], [sflag:$0x2], $0x80, $0x38;
	[tilespmem:$0xE00] =	vst v63  }
0x5b: {  	s19 =	sadd.s32 $0xFFFFFFA0, s3;
	s22 =	spop (v2sf)  }
0x5c: {  	[hbm4b:s19+s2] =	stream.linear.scatter [tilespmem:s20], [sflag:$0x2], $0x80, $0x38;
	[tilespmem:$0xE00] =	vst v63  }
0x5d: {  	s21 =	sadd.s32 $0xFFFFFFB0, s3;
	s24 =	spop (v2sf)  }
0x5e: {  	[hbm4b:s21+s2] =	stream.linear.scatter [tilespmem:s22], [sflag:$0x2], $0x80, $0x38;
	[tilespmem:$0xE00] =	vst v63  }
0x5f: {  	s23 =	sadd.s32 $0xFFFFFFC0, s3;
	s26 =	spop (v2sf)  }
0x60: {  	[hbm4b:s23+s2] =	stream.linear.scatter [tilespmem:s24], [sflag:$0x2], $0x80, $0x38;
	[tilespmem:$0xE00] =	vst v63  }
0x61: {  	s25 =	sadd.s32 $0xFFFFFFD0, s3;
	s4 =	simm.s32 $0x0;
	s29 =	spop (v2sf)  }
0x62: {  	[hbm4b:s25+s2] =	stream.linear.scatter [tilespmem:s26], [sflag:$0x2], $0x80, $0x38;
	[tilespmem:$0xE00] =	vst v63  }
0x63: {  	s28 =	sadd.s32 $0xFFFFFFE0, s3;
	s30 =	sadd.s32 $0xFFFFFFF0, s3;
	s31 =	spop (v2sf)  }
0x64: {  	[hbm4b:s28+s2] =	stream.linear.scatter [tilespmem:s29], [sflag:$0x2], $0x80, $0x38;
	[tilespmem:$0xE00] =	vst v63  }
0x65: {  	s5 =	sadd.s32 $0x200, s3;
	s6 =	simm.s32 $0x660;
	s7 =	spop (v2sf)  }
0x66: {  	[hbm4b:s30+s2] =	stream.linear.scatter [tilespmem:s31], [sflag:$0x2], $0x80, $0x38;
	[tilespmem:$0xE00] =	vst v63  }
.LBB2_1:
0x67: {  	[hbm4b:s3+s2] =	stream.linear.scatter [tilespmem:s7], [sflag:$0x2], $0x80, $0x38;
	[tilespmem:$0xE00] =	vst v63  }
0x68: {  	s4 =	sadd.s32 $0x2, s4;
	s3 =	smov.u32 s5;
	v0 =	vld [tilespmem:s6+$0xFFFFFFE0]  }
0x69: {  	p0 =	slt.u32 s4, $0x3E;
	_ =	sdelay $0x3  }
0x6a: {  	v0 =	vshll.u32 v0, $0x9  }
0x6b: {  	v0 =	vshra.s32 v0, $0x2  }
0x6c: {  	(v2sf) =	vpush v0, $0x0;
	_ =	sdelay $0x1  }
0x6d: {  	(v2sf) =	vpush v0, $0x2;
	_ =	sdelay $0x1  }
0x6e: {  	(v2sf) =	vpush v0, $0x4;
	_ =	sdelay $0x1  }
0x6f: {  	(v2sf) =	vpush v0, $0x6;
	_ =	sdelay $0x1  }
0x70: {  	(v2sf) =	vpush v0, $0x8  }
0x71: {  	v1 =	vld [tilespmem:s6+$0xFFFFFFF0]  }
0x72: {  	(v2sf) =	vpush v0, $0xA;
	_ =	sdelay $0x1  }
0x73: {  	(v2sf) =	vpush v0, $0xC;
	_ =	sdelay $0x1  }
0x74: {  	v1 =	vshll.u32 v1, $0x9;
	(v2sf) =	vpush v0, $0xE  }
0x75: {  	s7 =	sadd.s32 $0xFFFFFE10, s5;
	v0 =	vshra.s32 v1, $0x2;
	s8 =	spop (v2sf)  }
0x76: {  	[hbm4b:s7+s2] =	stream.linear.scatter [tilespmem:s8], [sflag:$0x2], $0x80, $0x38;
	(v2sf) =	vpush v0, $0x0;
	[tilespmem:$0xE00] =	vst v63  }
0x77: {  	s7 =	sadd.s32 $0xFFFFFE20, s5;
	s8 =	spop (v2sf)  }
0x78: {  	[hbm4b:s7+s2] =	stream.linear.scatter [tilespmem:s8], [sflag:$0x2], $0x80, $0x38;
	(v2sf) =	vpush v0, $0x2;
	[tilespmem:$0xE00] =	vst v63  }
0x79: {  	s7 =	sadd.s32 $0xFFFFFE30, s5;
	s8 =	spop (v2sf)  }
0x7a: {  	[hbm4b:s7+s2] =	stream.linear.scatter [tilespmem:s8], [sflag:$0x2], $0x80, $0x38;
	(v2sf) =	vpush v0, $0x4;
	[tilespmem:$0xE00] =	vst v63  }
0x7b: {  	s7 =	sadd.s32 $0xFFFFFE40, s5;
	s8 =	spop (v2sf)  }
0x7c: {  	[hbm4b:s7+s2] =	stream.linear.scatter [tilespmem:s8], [sflag:$0x2], $0x80, $0x38;
	(v2sf) =	vpush v0, $0x6;
	[tilespmem:$0xE00] =	vst v63  }
0x7d: {  	s7 =	sadd.s32 $0xFFFFFE50, s5;
	s8 =	spop (v2sf)  }
0x7e: {  	[hbm4b:s7+s2] =	stream.linear.scatter [tilespmem:s8], [sflag:$0x2], $0x80, $0x38;
	(v2sf) =	vpush v0, $0x8;
	[tilespmem:$0xE00] =	vst v63  }
0x7f: {  	s7 =	sadd.s32 $0xFFFFFE60, s5;
	s8 =	spop (v2sf)  }
0x80: {  	[hbm4b:s7+s2] =	stream.linear.scatter [tilespmem:s8], [sflag:$0x2], $0x80, $0x38;
	(v2sf) =	vpush v0, $0xA;
	[tilespmem:$0xE00] =	vst v63  }
0x81: {  	s7 =	sadd.s32 $0xFFFFFE70, s5;
	s8 =	spop (v2sf)  }
0x82: {  	[hbm4b:s7+s2] =	stream.linear.scatter [tilespmem:s8], [sflag:$0x2], $0x80, $0x38;
	(v2sf) =	vpush v0, $0xC;
	[tilespmem:$0xE00] =	vst v63  }
0x83: {  	s7 =	sadd.s32 $0xFFFFFE80, s5;
	s8 =	spop (v2sf)  }
0x84: {  	[hbm4b:s7+s2] =	stream.linear.scatter [tilespmem:s8], [sflag:$0x2], $0x80, $0x38;
	(v2sf) =	vpush v0, $0xE;
	[tilespmem:$0xE00] =	vst v63  }
0x85: {  	s7 =	sadd.s32 $0xFFFFFE90, s5;
	s8 =	spop (v2sf)  }
0x86: {  	[hbm4b:s7+s2] =	stream.linear.scatter [tilespmem:s8], [sflag:$0x2], $0x80, $0x38;
	[tilespmem:$0xE00] =	vst v63  }
0x87: {  	s7 =	sadd.s32 $0xFFFFFEA0, s5;
	s8 =	spop (v2sf)  }
0x88: {  	[hbm4b:s7+s2] =	stream.linear.scatter [tilespmem:s8], [sflag:$0x2], $0x80, $0x38;
	[tilespmem:$0xE00] =	vst v63  }
0x89: {  	s7 =	sadd.s32 $0xFFFFFEB0, s5;
	s8 =	spop (v2sf)  }
0x8a: {  	[hbm4b:s7+s2] =	stream.linear.scatter [tilespmem:s8], [sflag:$0x2], $0x80, $0x38;
	[tilespmem:$0xE00] =	vst v63  }
0x8b: {  	s7 =	sadd.s32 $0xFFFFFEC0, s5;
	s8 =	spop (v2sf)  }
0x8c: {  	[hbm4b:s7+s2] =	stream.linear.scatter [tilespmem:s8], [sflag:$0x2], $0x80, $0x38;
	[tilespmem:$0xE00] =	vst v63  }
0x8d: {  	s7 =	sadd.s32 $0xFFFFFED0, s5;
	s8 =	spop (v2sf)  }
0x8e: {  	[hbm4b:s7+s2] =	stream.linear.scatter [tilespmem:s8], [sflag:$0x2], $0x80, $0x38;
	[tilespmem:$0xE00] =	vst v63  }
0x8f: {  	s7 =	sadd.s32 $0xFFFFFEE0, s5;
	s8 =	spop (v2sf)  }
0x90: {  	[hbm4b:s7+s2] =	stream.linear.scatter [tilespmem:s8], [sflag:$0x2], $0x80, $0x38;
	[tilespmem:$0xE00] =	vst v63  }
0x91: {  	s7 =	sadd.s32 $0xFFFFFEF0, s5;
	s8 =	spop (v2sf)  }
0x92: {  	[hbm4b:s7+s2] =	stream.linear.scatter [tilespmem:s8], [sflag:$0x2], $0x80, $0x38;
	[tilespmem:$0xE00] =	vst v63  }
0x93: {  	s7 =	sadd.s32 $0xFFFFFF00, s5;
	s8 =	spop (v2sf)  }
0x94: {  	[hbm4b:s7+s2] =	stream.linear.scatter [tilespmem:s8], [sflag:$0x2], $0x80, $0x38;
	[tilespmem:$0xE00] =	vst v63  }
0x95: {  	v0 =	vld [tilespmem:s6+$0x0];
	_ =	sdelay $0x4  }
0x96: {  	v0 =	vshll.u32 v0, $0x9  }
0x97: {  	v0 =	vshra.s32 v0, $0x2  }
0x98: {  	(v2sf) =	vpush v0, $0x0;
	_ =	sdelay $0x1  }
0x99: {  	(v2sf) =	vpush v0, $0x2;
	_ =	sdelay $0x1  }
0x9a: {  	(v2sf) =	vpush v0, $0x4;
	_ =	sdelay $0x1  }
0x9b: {  	(v2sf) =	vpush v0, $0x6;
	_ =	sdelay $0x1  }
0x9c: {  	(v2sf) =	vpush v0, $0x8  }
0x9d: {  	v1 =	vld [tilespmem:s6+$0x10]  }
0x9e: {  	(v2sf) =	vpush v0, $0xA;
	_ =	sdelay $0x1  }
0x9f: {  	(v2sf) =	vpush v0, $0xC;
	_ =	sdelay $0x1  }
0xa0: {  	v1 =	vshll.u32 v1, $0x9;
	(v2sf) =	vpush v0, $0xE  }
0xa1: {  	s7 =	sadd.s32 $0xFFFFFF10, s5;
	v0 =	vshra.s32 v1, $0x2;
	s8 =	spop (v2sf)  }
0xa2: {  	[hbm4b:s7+s2] =	stream.linear.scatter [tilespmem:s8], [sflag:$0x2], $0x80, $0x38;
	(v2sf) =	vpush v0, $0x0;
	[tilespmem:$0xE00] =	vst v63  }
0xa3: {  	s7 =	sadd.s32 $0xFFFFFF20, s5;
	s8 =	spop (v2sf)  }
0xa4: {  	[hbm4b:s7+s2] =	stream.linear.scatter [tilespmem:s8], [sflag:$0x2], $0x80, $0x38;
	(v2sf) =	vpush v0, $0x2;
	[tilespmem:$0xE00] =	vst v63  }
0xa5: {  	s7 =	sadd.s32 $0xFFFFFF30, s5;
	s8 =	spop (v2sf)  }
0xa6: {  	[hbm4b:s7+s2] =	stream.linear.scatter [tilespmem:s8], [sflag:$0x2], $0x80, $0x38;
	(v2sf) =	vpush v0, $0x4;
	[tilespmem:$0xE00] =	vst v63  }
0xa7: {  	s7 =	sadd.s32 $0xFFFFFF40, s5;
	s8 =	spop (v2sf)  }
0xa8: {  	[hbm4b:s7+s2] =	stream.linear.scatter [tilespmem:s8], [sflag:$0x2], $0x80, $0x38;
	(v2sf) =	vpush v0, $0x6;
	[tilespmem:$0xE00] =	vst v63  }
0xa9: {  	s7 =	sadd.s32 $0xFFFFFF50, s5;
	s8 =	spop (v2sf)  }
0xaa: {  	[hbm4b:s7+s2] =	stream.linear.scatter [tilespmem:s8], [sflag:$0x2], $0x80, $0x38;
	(v2sf) =	vpush v0, $0x8;
	[tilespmem:$0xE00] =	vst v63  }
0xab: {  	s7 =	sadd.s32 $0xFFFFFF60, s5;
	s8 =	spop (v2sf)  }
0xac: {  	[hbm4b:s7+s2] =	stream.linear.scatter [tilespmem:s8], [sflag:$0x2], $0x80, $0x38;
	(v2sf) =	vpush v0, $0xA;
	[tilespmem:$0xE00] =	vst v63  }
0xad: {  	s7 =	sadd.s32 $0xFFFFFF70, s5;
	s8 =	spop (v2sf)  }
0xae: {  	[hbm4b:s7+s2] =	stream.linear.scatter [tilespmem:s8], [sflag:$0x2], $0x80, $0x38;
	(v2sf) =	vpush v0, $0xC;
	[tilespmem:$0xE00] =	vst v63  }
0xaf: {  	s7 =	sadd.s32 $0xFFFFFF80, s5;
	s8 =	spop (v2sf)  }
0xb0: {  	[hbm4b:s7+s2] =	stream.linear.scatter [tilespmem:s8], [sflag:$0x2], $0x80, $0x38;
	(v2sf) =	vpush v0, $0xE;
	[tilespmem:$0xE00] =	vst v63  }
0xb1: {  	s7 =	sadd.s32 $0xFFFFFF90, s5;
	s8 =	spop (v2sf)  }
0xb2: {  	[hbm4b:s7+s2] =	stream.linear.scatter [tilespmem:s8], [sflag:$0x2], $0x80, $0x38;
	[tilespmem:$0xE00] =	vst v63  }
0xb3: {  	s7 =	sadd.s32 $0xFFFFFFA0, s5;
	s8 =	spop (v2sf)  }
0xb4: {  	[hbm4b:s7+s2] =	stream.linear.scatter [tilespmem:s8], [sflag:$0x2], $0x80, $0x38;
	[tilespmem:$0xE00] =	vst v63  }
0xb5: {  	s7 =	sadd.s32 $0xFFFFFFB0, s5;
	s8 =	spop (v2sf)  }
0xb6: {  	[hbm4b:s7+s2] =	stream.linear.scatter [tilespmem:s8], [sflag:$0x2], $0x80, $0x38;
	[tilespmem:$0xE00] =	vst v63  }
0xb7: {  	s7 =	sadd.s32 $0xFFFFFFC0, s5;
	s8 =	spop (v2sf)  }
0xb8: {  	[hbm4b:s7+s2] =	stream.linear.scatter [tilespmem:s8], [sflag:$0x2], $0x80, $0x38;
	[tilespmem:$0xE00] =	vst v63  }
0xb9: {  	s7 =	sadd.s32 $0xFFFFFFD0, s5;
	s8 =	spop (v2sf)  }
0xba: {  	[hbm4b:s7+s2] =	stream.linear.scatter [tilespmem:s8], [sflag:$0x2], $0x80, $0x38;
	[tilespmem:$0xE00] =	vst v63  }
.Ltmp0:
0xbb: {  	s7 =	sadd.s32 $0xFFFFFFE0, s5;
	s8 =	spop (v2sf);
	(pc) =	sbr.rel @p0 .LBB2_1-.Ltmp0, $4  }
0xbc: {  	[hbm4b:s7+s2] =	stream.linear.scatter [tilespmem:s8], [sflag:$0x2], $0x80, $0x38;
	[tilespmem:$0xE00] =	vst v63  }
0xbd: {  	s7 =	sadd.s32 $0xFFFFFFF0, s5;
	s8 =	spop (v2sf)  }
0xbe: {  	[hbm4b:s7+s2] =	stream.linear.scatter [tilespmem:s8], [sflag:$0x2], $0x80, $0x38;
	[tilespmem:$0xE00] =	vst v63  }
0xbf: {  	s6 =	sadd.s32 $0x40, s6;
	s5 =	sadd.s32 $0x200, s5;
	s7 =	spop (v2sf)  }
0xc0: {  	[hbm4b:s3+s2] =	stream.linear.scatter [tilespmem:s7], [sflag:$0x2], $0x80, $0x38;
	[tilespmem:$0xE00] =	vst v63  }
0xc1: {  	s31 =	simm.s32 $0x2  }
0xc2: {  	_ =	swait.ge [sflag:s31], $0x10000  }
0xc3: {  	[sflag:s31] =	ssyncset.done $0x0  }
0xc4: {  	[sflag:s31] =	ssyncadd.s32 $0xFFFF0000  }
0xc5: {  	_ =	swait.ge [sflag:s31], $0x10000  }
0xc6: {  	[sflag:s31] =	ssyncset.done $0x0  }
0xc7: {  	[sflag:s31] =	ssyncadd.s32 $0xFFFF0000  }
0xc8: {  	_ =	sfence.sel $0x180000  }
0xc9: {  	[bflag:$0x0] =	sbarrier.arrive $0xFFFF  }
0xca: {  	p0 =	sne.s32 s1, $0x0;
	_ =	strace $0x90000047  }
0xcb: {  	s0 =	sadd.s32 @!p0 $0x100000, s0;
	[bflag:$0x2] =	sbarrier.arrive $0xFFFF  }
0xcc: {  	[sflag:s0] =	ssyncadd.tile.s32 @!p0 $0x1;
	_ =	shalt  }
.Lfunc_end2:
_tile_overlayer_lowered:
.L_overlay_start_2:
0xcd: {  	(tag) =	ssettag $0x2  }
0xce: {  	s0 =	rddreg [dreg:$0x0];
	s2 =	stileid.u32  }
0xcf: {  	s1 =	rddreg [dreg:$0x1];
	p0 =	sne.s32 s2, $0x0  }
0xd0: {  	s3 =	rddreg [dreg:$0x2];
	[bflag:$0x3] =	sbarrier.arrive $0xFFFF;
	s2 =	simm.s32 @!p0 $0x1C03  }
0xd1: {  	[timem:s3], [sflag:s2] =	dma.local @!p0 [hbm:s0], s1  }
0xd2: {  	s0 =	simm.s32 @!p0 $0x3  }
0xd3: {  	_ =	swait.ge @!p0 [sflag:s0], s1  }
0xd4: {  	s1 =	ssub.s32 @!p0 $0x0, s1;
	[sflag:s0] =	ssyncset.done @!p0 $0x0  }
0xd5: {  	[sflag:s0] =	ssyncadd.s32 @!p0 s1  }
0xd6: {  	[bflag:$0x3] =	sbarrier.arrive $0xFFFF  }
0xd7: {  	_ =	shalt  }

</sc_bundles>
